<compile_context>
chip_gen: v7x
topology: tpu7x:2x2x1
jax: 0.10.2.dev20260603
libtpu: 0.0.44.dev20260713+nightly
codegen_flags: <defaults>
</compile_context>

<pallas_src>
import jax
import jax.numpy as jnp
from jax import lax
from jax.experimental import pallas as pl
from jax.experimental.pallas import tpu as pltpu
from jax.experimental.pallas import tpu_sc as plsc

_B, _T, _V = 32, 9, 8192
_N = _B * _T
_NC, _NS = 2, 16
_NW = _NC * _NS
_RPC = 8
_CW = 1024
_NCOL = _V // _CW
_NUNIT = (_N // _RPC) * _NCOL
_MAXU = -(-_NUNIT // _NW)


def _sc_gather_body(table_hbm, xf_hbm, out_hbm, *sc):
    idx_all = sc[0]
    buf = sc[1:1 + _MAXU]
    semg = sc[1 + _MAXU:1 + 2 * _MAXU]
    semw = sc[1 + 2 * _MAXU:1 + 3 * _MAXU]
    wid = lax.axis_index("s") * _NC + lax.axis_index("c")
    pltpu.sync_copy(xf_hbm, idx_all)

    def unit(k):
        u = wid + _NW * k
        c = u // _NCOL
        b = u % _NCOL
        row = pl.multiple_of(c * _RPC, _RPC)
        col = pl.multiple_of(b * _CW, _CW)
        return row, col

    def fire(k):
        row, col = unit(k)
        pltpu.async_copy(
            table_hbm.at[idx_all.at[pl.ds(row, _RPC)], pl.ds(col, _CW)],
            buf[k], semg[k])

    def write(k):
        row, col = unit(k)
        pltpu.make_async_copy(
            table_hbm.at[idx_all.at[pl.ds(row, _RPC)], pl.ds(col, _CW)],
            buf[k], semg[k]).wait()
        pltpu.async_copy(
            buf[k], out_hbm.at[pl.ds(row, _RPC), pl.ds(col, _CW)], semw[k])

    def drain(k):
        row, col = unit(k)
        pltpu.make_async_copy(
            buf[k], out_hbm.at[pl.ds(row, _RPC), pl.ds(col, _CW)],
            semw[k]).wait()

    nfull = _NUNIT // _NW
    extra = _NUNIT - nfull * _NW
    has_extra = wid < extra
    for k in range(nfull):
        fire(k)
    if extra:
        pl.when(has_extra)(lambda: fire(nfull))
    for k in range(nfull):
        write(k)
    if extra:
        pl.when(has_extra)(lambda: write(nfull))
    for k in range(nfull):
        drain(k)
    if extra:
        pl.when(has_extra)(lambda: drain(nfull))


def _sc_gather(table, xf):
    mesh = plsc.VectorSubcoreMesh(core_axis_name="c", subcore_axis_name="s")
    f = pl.kernel(
        _sc_gather_body,
        out_type=jax.ShapeDtypeStruct((_N, _V), jnp.float32),
        mesh=mesh,
        scratch_types=(
            [pltpu.VMEM((_N,), jnp.int32)]
            + [pltpu.VMEM((_RPC, _CW), jnp.float32)] * _MAXU
            + [pltpu.SemaphoreType.DMA] * (2 * _MAXU)
        ),
    )
    return f(table, xf)


_ROWS_PER_BLK = 96
_NBLK = _N // _ROWS_PER_BLK


def _tc_loss_body(lg_ref, y_ref, loss_ref, acc_ref):
    i = pl.program_id(0)
    lg = lg_ref[...]
    m = jnp.max(lg, axis=1)
    s = jnp.sum(jnp.exp(lg - m[:, None]), axis=1)
    ids = lax.broadcasted_iota(jnp.int32, (_ROWS_PER_BLK, _V), 1)
    t = jnp.sum(jnp.where(ids == y_ref[...], lg, 0.0), axis=1)
    part = jnp.sum(t - m - jnp.log(s))

    @pl.when(i == 0)
    def _():
        acc_ref[0] = 0.0

    acc_ref[0] += part

    @pl.when(i == _NBLK - 1)
    def _():
        loss_ref[0, 0] = -acc_ref[0] / _N


def _tc_loss(logits, y2):
    return pl.pallas_call(
        _tc_loss_body,
        grid=(_NBLK,),
        in_specs=[
            pl.BlockSpec((_ROWS_PER_BLK, _V), lambda i: (i, 0)),
            pl.BlockSpec((_ROWS_PER_BLK, 1), lambda i: (i, 0)),
        ],
        out_specs=pl.BlockSpec(memory_space=pltpu.SMEM),
        out_shape=jax.ShapeDtypeStruct((1, 1), jnp.float32),
        scratch_shapes=[pltpu.SMEM((1,), jnp.float32)],
    )(logits, y2)


def kernel(x, y, embedding_table):
    xf = x.reshape(_N).astype(jnp.int32)
    logits = _sc_gather(embedding_table, xf)
    y2 = y.reshape(_N, 1).astype(jnp.int32)
    loss = _tc_loss(logits, y2)
    return (logits, loss.reshape(()))

# --- scband reference (transcript-rebuilt; emitter-appended) ---
"""Pipeline reference for scband-biagram-language-model-33629593927794 (READ-ONLY COPY).

The authoritative reference and input builder live on the scoring server;
editing this copy changes nothing except your own understanding.
"""

import jax, jax.numpy as jnp
import numpy as np

BATCH = 32
CTX = 9
VOCAB = 8192

def setup_inputs(seed: int = 0) -> dict:
    key = jax.random.key(seed)
    k1, k2, k3 = jax.random.split(key, 3)
    x = jax.random.randint(k1, (BATCH, CTX), 0, VOCAB, dtype=jnp.int64 if jax.config.jax_enable_x64 else jnp.int32)
    y = jax.random.randint(k2, (BATCH, CTX), 0, VOCAB, dtype=jnp.int64 if jax.config.jax_enable_x64 else jnp.int32)
    # nn.Embedding default init: N(0, 1)
    embedding_table = jax.random.normal(k3, (VOCAB, VOCAB), dtype=jnp.float32)
    return {"x": x, "y": y, "embedding_table": embedding_table}

def reference(x, y, embedding_table):
    # logits = self.embedding_table(x) -> gather rows
    logits = jnp.take(embedding_table, x, axis=0)          # [B, T, V]
    b, t, v = logits.shape
    logits = logits.reshape(b * t, v)                        # [B*T, V]
    targets = y.reshape(b * t)                               # [B*T]
    # F.cross_entropy with mean reduction
    logp = jax.nn.log_softmax(logits, axis=-1)
    loss = -jnp.mean(logp[jnp.arange(b * t), targets])
    return (logits, loss)

if __name__ == "__main__":
    import jax
    _d = setup_inputs()
    print(jax.jit(kernel)(*tuple(_d.values())))

</pallas_src>

<mosaic_0001>
#map = affine_map<(d0, d1) -> (0, 0)>
#map1 = affine_map<(d0, d1) -> (0)>
module attributes {stable_mosaic.version = 14 : i64} {
  func.func @_sc_gather_body(%arg0: i32, %arg1: i32, %arg2: memref<8192x8192xf32, #tpu.memory_space<hbm>>, %arg3: memref<288xi32, #tpu.memory_space<hbm>>, %arg4: memref<288x8192xf32, #tpu.memory_space<hbm>>, %arg5: memref<288xi32, #tpu.memory_space<vmem>>, %arg6: memref<8x1024xf32, #tpu.memory_space<vmem>>, %arg7: memref<8x1024xf32, #tpu.memory_space<vmem>>, %arg8: memref<8x1024xf32, #tpu.memory_space<vmem>>, %arg9: memref<8x1024xf32, #tpu.memory_space<vmem>>, %arg10: memref<8x1024xf32, #tpu.memory_space<vmem>>, %arg11: memref<8x1024xf32, #tpu.memory_space<vmem>>, %arg12: memref<8x1024xf32, #tpu.memory_space<vmem>>, %arg13: memref<8x1024xf32, #tpu.memory_space<vmem>>, %arg14: memref<8x1024xf32, #tpu.memory_space<vmem>>, %arg15: memref<!tpu.dma_semaphore, #tpu.memory_space<semaphore_mem>>, %arg16: memref<!tpu.dma_semaphore, #tpu.memory_space<semaphore_mem>>, %arg17: memref<!tpu.dma_semaphore, #tpu.memory_space<semaphore_mem>>, %arg18: memref<!tpu.dma_semaphore, #tpu.memory_space<semaphore_mem>>, %arg19: memref<!tpu.dma_semaphore, #tpu.memory_space<semaphore_mem>>, %arg20: memref<!tpu.dma_semaphore, #tpu.memory_space<semaphore_mem>>, %arg21: memref<!tpu.dma_semaphore, #tpu.memory_space<semaphore_mem>>, %arg22: memref<!tpu.dma_semaphore, #tpu.memory_space<semaphore_mem>>, %arg23: memref<!tpu.dma_semaphore, #tpu.memory_space<semaphore_mem>>, %arg24: memref<!tpu.dma_semaphore, #tpu.memory_space<semaphore_mem>>, %arg25: memref<!tpu.dma_semaphore, #tpu.memory_space<semaphore_mem>>, %arg26: memref<!tpu.dma_semaphore, #tpu.memory_space<semaphore_mem>>, %arg27: memref<!tpu.dma_semaphore, #tpu.memory_space<semaphore_mem>>, %arg28: memref<!tpu.dma_semaphore, #tpu.memory_space<semaphore_mem>>, %arg29: memref<!tpu.dma_semaphore, #tpu.memory_space<semaphore_mem>>, %arg30: memref<!tpu.dma_semaphore, #tpu.memory_space<semaphore_mem>>, %arg31: memref<!tpu.dma_semaphore, #tpu.memory_space<semaphore_mem>>, %arg32: memref<!tpu.dma_semaphore, #tpu.memory_space<semaphore_mem>>) attributes {dimension_semantics = [#tpu.dimension_semantics<core_parallel>, #tpu.dimension_semantics<subcore_parallel>], iteration_bounds = array<i64: 2, 16>, scalar_prefetch = 0 : i64, scratch_operands = 28 : i64, tpu.core_type = #tpu.core_type<sc_vector_subcore>, window_params = [{transform_indices = #map}, {transform_indices = #map1}, {transform_indices = #map}]} {
    %mul3A = arith.constant 2 : i32
    %mul3A_0 = arith.muli %arg1, %mul3A : i32
    %add3A = arith.addi %mul3A_0, %arg0 : i32
    "tpu.region"() ({
      %run_scoped3A = tpu.sem_alloc : memref<!tpu.dma_semaphore, #tpu.memory_space<semaphore_mem>>
      tpu.enqueue_dma source(%arg3 : memref<288xi32, #tpu.memory_space<hbm>>) target(%arg5 : memref<288xi32, #tpu.memory_space<vmem>>) target_semaphore(%run_scoped3A : memref<!tpu.dma_semaphore, #tpu.memory_space<semaphore_mem>>)
      tpu.wait_dma2 semaphore(%run_scoped3A : memref<!tpu.dma_semaphore, #tpu.memory_space<semaphore_mem>>) src(%arg3 : memref<288xi32, #tpu.memory_space<hbm>>) dst(%arg5 : memref<288xi32, #tpu.memory_space<vmem>>)
      tpu.yield
    }) : () -> ()
    %lt3A = arith.constant 0 : i32
    %lt3A_1 = arith.cmpi slt, %add3A, %lt3A : i32
    %add3A_2 = arith.constant 0 : i32
    %add3A_3 = arith.addi %add3A, %add3A_2 : i32
    %jit3A = arith.constant 8 : i32
    %div3A = arith.divsi %add3A_3, %jit3A : i32
    %sign3A = arith.constant 0 : i32
    %sign3A_4 = arith.cmpi sgt, %add3A_3, %sign3A : i32
    %sign3A_5 = arith.extui %sign3A_4 : i1 to i32
    %sign3A_6 = arith.constant 0 : i32
    %sign3A_7 = arith.cmpi slt, %add3A_3, %sign3A_6 : i32
    %sign3A_8 = arith.extui %sign3A_7 : i1 to i32
    %sign3A_9 = arith.subi %sign3A_5, %sign3A_8 : i32
    %sign3A_10 = arith.constant 0 : i32
    %sign3A_11 = arith.cmpi sgt, %jit3A, %sign3A_10 : i32
    %sign3A_12 = arith.extui %sign3A_11 : i1 to i32
    %sign3A_13 = arith.constant 0 : i32
    %sign3A_14 = arith.cmpi slt, %jit3A, %sign3A_13 : i32
    %sign3A_15 = arith.extui %sign3A_14 : i1 to i32
    %sign3A_16 = arith.subi %sign3A_12, %sign3A_15 : i32
    %ne3A = arith.cmpi ne, %sign3A_9, %sign3A_16 : i32
    %rem3A = arith.remsi %add3A_3, %jit3A : i32
    %ne3A_17 = arith.constant 0 : i32
    %ne3A_18 = arith.cmpi ne, %rem3A, %ne3A_17 : i32
    %and3A = arith.andi %ne3A, %ne3A_18 : i1
    %sub3A = arith.constant 1 : i32
    %sub3A_19 = arith.subi %div3A, %sub3A : i32
    %select_n3A = arith.select %and3A, %sub3A_19, %div3A : i32
    %jit3A_20 = arith.constant 8 : i32
    %eq3A = arith.constant 0 : i32
    %eq3A_21 = arith.cmpi eq, %jit3A_20, %eq3A : i32
    %jit3A_22 = arith.constant 1 : i32
    %select_n3A_23 = arith.select %eq3A_21, %jit3A_22, %jit3A_20 : i32
    %rem3A_24 = arith.remsi %add3A_3, %select_n3A_23 : i32
    %ne3A_25 = arith.constant 0 : i32
    %ne3A_26 = arith.cmpi ne, %rem3A_24, %ne3A_25 : i32
    %lt3A_27 = arith.constant 0 : i32
    %lt3A_28 = arith.cmpi slt, %rem3A_24, %lt3A_27 : i32
    %lt3A_29 = arith.constant 0 : i32
    %lt3A_30 = arith.cmpi slt, %select_n3A_23, %lt3A_29 : i32
    %ne3A_31 = arith.xori %lt3A_28, %lt3A_30 : i1
    %and3A_32 = arith.andi %ne3A_31, %ne3A_26 : i1
    %add3A_33 = arith.addi %rem3A_24, %select_n3A_23 : i32
    %select_n3A_34 = arith.select %and3A_32, %add3A_33, %rem3A_24 : i32
    %mul3A_35 = arith.constant 8 : i32
    %mul3A_36 = arith.muli %select_n3A, %mul3A_35 : i32
    %multiple_of3A = tpu.assume_multiple %mul3A_36, 8 : i32
    %mul3A_37 = arith.constant 1024 : i32
    %mul3A_38 = arith.muli %select_n3A_34, %mul3A_37 : i32
    %multiple_of3A_39 = tpu.assume_multiple %mul3A_38, 1024 : i32
    %dma_start3A = tpu.memref_slice %arg5[%multiple_of3A] : memref<288xi32, #tpu.memory_space<vmem>> -> memref<8xi32, #tpu.memory_space<vmem>>
    %dma_start3A_40 = arith.constant 0 : i32
    %dma_start3A_41 = tpu.memref_slice %arg2[%dma_start3A_40, %multiple_of3A_39] : memref<8192x8192xf32, #tpu.memory_space<hbm>> -> memref<8192x1024xf32, #tpu.memory_space<hbm>>
    tpu.enqueue_indirect_dma source(%dma_start3A_41 : memref<8192x1024xf32, #tpu.memory_space<hbm>>) target(%arg6 : memref<8x1024xf32, #tpu.memory_space<vmem>>) offsets(%dma_start3A : memref<8xi32, #tpu.memory_space<vmem>>) semaphore(%arg15 : memref<!tpu.dma_semaphore, #tpu.memory_space<semaphore_mem>>)
    %add3A_42 = arith.constant 32 : i32
    %add3A_43 = arith.addi %add3A, %add3A_42 : i32
    %jit3A_44 = arith.constant 8 : i32
    %div3A_45 = arith.divsi %add3A_43, %jit3A_44 : i32
    %sign3A_46 = arith.constant 0 : i32
    %sign3A_47 = arith.cmpi sgt, %add3A_43, %sign3A_46 : i32
    %sign3A_48 = arith.extui %sign3A_47 : i1 to i32
    %sign3A_49 = arith.constant 0 : i32
    %sign3A_50 = arith.cmpi slt, %add3A_43, %sign3A_49 : i32
    %sign3A_51 = arith.extui %sign3A_50 : i1 to i32
    %sign3A_52 = arith.subi %sign3A_48, %sign3A_51 : i32
    %sign3A_53 = arith.constant 0 : i32
    %sign3A_54 = arith.cmpi sgt, %jit3A_44, %sign3A_53 : i32
    %sign3A_55 = arith.extui %sign3A_54 : i1 to i32
    %sign3A_56 = arith.constant 0 : i32
    %sign3A_57 = arith.cmpi slt, %jit3A_44, %sign3A_56 : i32
    %sign3A_58 = arith.extui %sign3A_57 : i1 to i32
    %sign3A_59 = arith.subi %sign3A_55, %sign3A_58 : i32
    %ne3A_60 = arith.cmpi ne, %sign3A_52, %sign3A_59 : i32
    %rem3A_61 = arith.remsi %add3A_43, %jit3A_44 : i32
    %ne3A_62 = arith.constant 0 : i32
    %ne3A_63 = arith.cmpi ne, %rem3A_61, %ne3A_62 : i32
    %and3A_64 = arith.andi %ne3A_60, %ne3A_63 : i1
    %sub3A_65 = arith.constant 1 : i32
    %sub3A_66 = arith.subi %div3A_45, %sub3A_65 : i32
    %select_n3A_67 = arith.select %and3A_64, %sub3A_66, %div3A_45 : i32
    %jit3A_68 = arith.constant 8 : i32
    %eq3A_69 = arith.constant 0 : i32
    %eq3A_70 = arith.cmpi eq, %jit3A_68, %eq3A_69 : i32
    %jit3A_71 = arith.constant 1 : i32
    %select_n3A_72 = arith.select %eq3A_70, %jit3A_71, %jit3A_68 : i32
    %rem3A_73 = arith.remsi %add3A_43, %select_n3A_72 : i32
    %ne3A_74 = arith.constant 0 : i32
    %ne3A_75 = arith.cmpi ne, %rem3A_73, %ne3A_74 : i32
    %lt3A_76 = arith.constant 0 : i32
    %lt3A_77 = arith.cmpi slt, %rem3A_73, %lt3A_76 : i32
    %lt3A_78 = arith.constant 0 : i32
    %lt3A_79 = arith.cmpi slt, %select_n3A_72, %lt3A_78 : i32
    %ne3A_80 = arith.xori %lt3A_77, %lt3A_79 : i1
    %and3A_81 = arith.andi %ne3A_80, %ne3A_75 : i1
    %add3A_82 = arith.addi %rem3A_73, %select_n3A_72 : i32
    %select_n3A_83 = arith.select %and3A_81, %add3A_82, %rem3A_73 : i32
    %mul3A_84 = arith.constant 8 : i32
    %mul3A_85 = arith.muli %select_n3A_67, %mul3A_84 : i32
    %multiple_of3A_86 = tpu.assume_multiple %mul3A_85, 8 : i32
    %mul3A_87 = arith.constant 1024 : i32
    %mul3A_88 = arith.muli %select_n3A_83, %mul3A_87 : i32
    %multiple_of3A_89 = tpu.assume_multiple %mul3A_88, 1024 : i32
    %dma_start3A_90 = tpu.memref_slice %arg5[%multiple_of3A_86] : memref<288xi32, #tpu.memory_space<vmem>> -> memref<8xi32, #tpu.memory_space<vmem>>
    %dma_start3A_91 = arith.constant 0 : i32
    %dma_start3A_92 = tpu.memref_slice %arg2[%dma_start3A_91, %multiple_of3A_89] : memref<8192x8192xf32, #tpu.memory_space<hbm>> -> memref<8192x1024xf32, #tpu.memory_space<hbm>>
    tpu.enqueue_indirect_dma source(%dma_start3A_92 : memref<8192x1024xf32, #tpu.memory_space<hbm>>) target(%arg7 : memref<8x1024xf32, #tpu.memory_space<vmem>>) offsets(%dma_start3A_90 : memref<8xi32, #tpu.memory_space<vmem>>) semaphore(%arg16 : memref<!tpu.dma_semaphore, #tpu.memory_space<semaphore_mem>>)
    %add3A_93 = arith.constant 64 : i32
    %add3A_94 = arith.addi %add3A, %add3A_93 : i32
    %jit3A_95 = arith.constant 8 : i32
    %div3A_96 = arith.divsi %add3A_94, %jit3A_95 : i32
    %sign3A_97 = arith.constant 0 : i32
    %sign3A_98 = arith.cmpi sgt, %add3A_94, %sign3A_97 : i32
    %sign3A_99 = arith.extui %sign3A_98 : i1 to i32
    %sign3A_100 = arith.constant 0 : i32
    %sign3A_101 = arith.cmpi slt, %add3A_94, %sign3A_100 : i32
    %sign3A_102 = arith.extui %sign3A_101 : i1 to i32
    %sign3A_103 = arith.subi %sign3A_99, %sign3A_102 : i32
    %sign3A_104 = arith.constant 0 : i32
    %sign3A_105 = arith.cmpi sgt, %jit3A_95, %sign3A_104 : i32
    %sign3A_106 = arith.extui %sign3A_105 : i1 to i32
    %sign3A_107 = arith.constant 0 : i32
    %sign3A_108 = arith.cmpi slt, %jit3A_95, %sign3A_107 : i32
    %sign3A_109 = arith.extui %sign3A_108 : i1 to i32
    %sign3A_110 = arith.subi %sign3A_106, %sign3A_109 : i32
    %ne3A_111 = arith.cmpi ne, %sign3A_103, %sign3A_110 : i32
    %rem3A_112 = arith.remsi %add3A_94, %jit3A_95 : i32
    %ne3A_113 = arith.constant 0 : i32
    %ne3A_114 = arith.cmpi ne, %rem3A_112, %ne3A_113 : i32
    %and3A_115 = arith.andi %ne3A_111, %ne3A_114 : i1
    %sub3A_116 = arith.constant 1 : i32
    %sub3A_117 = arith.subi %div3A_96, %sub3A_116 : i32
    %select_n3A_118 = arith.select %and3A_115, %sub3A_117, %div3A_96 : i32
    %jit3A_119 = arith.constant 8 : i32
    %eq3A_120 = arith.constant 0 : i32
    %eq3A_121 = arith.cmpi eq, %jit3A_119, %eq3A_120 : i32
    %jit3A_122 = arith.constant 1 : i32
    %select_n3A_123 = arith.select %eq3A_121, %jit3A_122, %jit3A_119 : i32
    %rem3A_124 = arith.remsi %add3A_94, %select_n3A_123 : i32
    %ne3A_125 = arith.constant 0 : i32
    %ne3A_126 = arith.cmpi ne, %rem3A_124, %ne3A_125 : i32
    %lt3A_127 = arith.constant 0 : i32
    %lt3A_128 = arith.cmpi slt, %rem3A_124, %lt3A_127 : i32
    %lt3A_129 = arith.constant 0 : i32
    %lt3A_130 = arith.cmpi slt, %select_n3A_123, %lt3A_129 : i32
    %ne3A_131 = arith.xori %lt3A_128, %lt3A_130 : i1
    %and3A_132 = arith.andi %ne3A_131, %ne3A_126 : i1
    %add3A_133 = arith.addi %rem3A_124, %select_n3A_123 : i32
    %select_n3A_134 = arith.select %and3A_132, %add3A_133, %rem3A_124 : i32
    %mul3A_135 = arith.constant 8 : i32
    %mul3A_136 = arith.muli %select_n3A_118, %mul3A_135 : i32
    %multiple_of3A_137 = tpu.assume_multiple %mul3A_136, 8 : i32
    %mul3A_138 = arith.constant 1024 : i32
    %mul3A_139 = arith.muli %select_n3A_134, %mul3A_138 : i32
    %multiple_of3A_140 = tpu.assume_multiple %mul3A_139, 1024 : i32
    %dma_start3A_141 = tpu.memref_slice %arg5[%multiple_of3A_137] : memref<288xi32, #tpu.memory_space<vmem>> -> memref<8xi32, #tpu.memory_space<vmem>>
    %dma_start3A_142 = arith.constant 0 : i32
    %dma_start3A_143 = tpu.memref_slice %arg2[%dma_start3A_142, %multiple_of3A_140] : memref<8192x8192xf32, #tpu.memory_space<hbm>> -> memref<8192x1024xf32, #tpu.memory_space<hbm>>
    tpu.enqueue_indirect_dma source(%dma_start3A_143 : memref<8192x1024xf32, #tpu.memory_space<hbm>>) target(%arg8 : memref<8x1024xf32, #tpu.memory_space<vmem>>) offsets(%dma_start3A_141 : memref<8xi32, #tpu.memory_space<vmem>>) semaphore(%arg17 : memref<!tpu.dma_semaphore, #tpu.memory_space<semaphore_mem>>)
    %add3A_144 = arith.constant 96 : i32
    %add3A_145 = arith.addi %add3A, %add3A_144 : i32
    %jit3A_146 = arith.constant 8 : i32
    %div3A_147 = arith.divsi %add3A_145, %jit3A_146 : i32
    %sign3A_148 = arith.constant 0 : i32
    %sign3A_149 = arith.cmpi sgt, %add3A_145, %sign3A_148 : i32
    %sign3A_150 = arith.extui %sign3A_149 : i1 to i32
    %sign3A_151 = arith.constant 0 : i32
    %sign3A_152 = arith.cmpi slt, %add3A_145, %sign3A_151 : i32
    %sign3A_153 = arith.extui %sign3A_152 : i1 to i32
    %sign3A_154 = arith.subi %sign3A_150, %sign3A_153 : i32
    %sign3A_155 = arith.constant 0 : i32
    %sign3A_156 = arith.cmpi sgt, %jit3A_146, %sign3A_155 : i32
    %sign3A_157 = arith.extui %sign3A_156 : i1 to i32
    %sign3A_158 = arith.constant 0 : i32
    %sign3A_159 = arith.cmpi slt, %jit3A_146, %sign3A_158 : i32
    %sign3A_160 = arith.extui %sign3A_159 : i1 to i32
    %sign3A_161 = arith.subi %sign3A_157, %sign3A_160 : i32
    %ne3A_162 = arith.cmpi ne, %sign3A_154, %sign3A_161 : i32
    %rem3A_163 = arith.remsi %add3A_145, %jit3A_146 : i32
    %ne3A_164 = arith.constant 0 : i32
    %ne3A_165 = arith.cmpi ne, %rem3A_163, %ne3A_164 : i32
    %and3A_166 = arith.andi %ne3A_162, %ne3A_165 : i1
    %sub3A_167 = arith.constant 1 : i32
    %sub3A_168 = arith.subi %div3A_147, %sub3A_167 : i32
    %select_n3A_169 = arith.select %and3A_166, %sub3A_168, %div3A_147 : i32
    %jit3A_170 = arith.constant 8 : i32
    %eq3A_171 = arith.constant 0 : i32
    %eq3A_172 = arith.cmpi eq, %jit3A_170, %eq3A_171 : i32
    %jit3A_173 = arith.constant 1 : i32
    %select_n3A_174 = arith.select %eq3A_172, %jit3A_173, %jit3A_170 : i32
    %rem3A_175 = arith.remsi %add3A_145, %select_n3A_174 : i32
    %ne3A_176 = arith.constant 0 : i32
    %ne3A_177 = arith.cmpi ne, %rem3A_175, %ne3A_176 : i32
    %lt3A_178 = arith.constant 0 : i32
    %lt3A_179 = arith.cmpi slt, %rem3A_175, %lt3A_178 : i32
    %lt3A_180 = arith.constant 0 : i32
    %lt3A_181 = arith.cmpi slt, %select_n3A_174, %lt3A_180 : i32
    %ne3A_182 = arith.xori %lt3A_179, %lt3A_181 : i1
    %and3A_183 = arith.andi %ne3A_182, %ne3A_177 : i1
    %add3A_184 = arith.addi %rem3A_175, %select_n3A_174 : i32
    %select_n3A_185 = arith.select %and3A_183, %add3A_184, %rem3A_175 : i32
    %mul3A_186 = arith.constant 8 : i32
    %mul3A_187 = arith.muli %select_n3A_169, %mul3A_186 : i32
    %multiple_of3A_188 = tpu.assume_multiple %mul3A_187, 8 : i32
    %mul3A_189 = arith.constant 1024 : i32
    %mul3A_190 = arith.muli %select_n3A_185, %mul3A_189 : i32
    %multiple_of3A_191 = tpu.assume_multiple %mul3A_190, 1024 : i32
    %dma_start3A_192 = tpu.memref_slice %arg5[%multiple_of3A_188] : memref<288xi32, #tpu.memory_space<vmem>> -> memref<8xi32, #tpu.memory_space<vmem>>
    %dma_start3A_193 = arith.constant 0 : i32
    %dma_start3A_194 = tpu.memref_slice %arg2[%dma_start3A_193, %multiple_of3A_191] : memref<8192x8192xf32, #tpu.memory_space<hbm>> -> memref<8192x1024xf32, #tpu.memory_space<hbm>>
    tpu.enqueue_indirect_dma source(%dma_start3A_194 : memref<8192x1024xf32, #tpu.memory_space<hbm>>) target(%arg9 : memref<8x1024xf32, #tpu.memory_space<vmem>>) offsets(%dma_start3A_192 : memref<8xi32, #tpu.memory_space<vmem>>) semaphore(%arg18 : memref<!tpu.dma_semaphore, #tpu.memory_space<semaphore_mem>>)
    %add3A_195 = arith.constant 128 : i32
    %add3A_196 = arith.addi %add3A, %add3A_195 : i32
    %jit3A_197 = arith.constant 8 : i32
    %div3A_198 = arith.divsi %add3A_196, %jit3A_197 : i32
    %sign3A_199 = arith.constant 0 : i32
    %sign3A_200 = arith.cmpi sgt, %add3A_196, %sign3A_199 : i32
    %sign3A_201 = arith.extui %sign3A_200 : i1 to i32
    %sign3A_202 = arith.constant 0 : i32
    %sign3A_203 = arith.cmpi slt, %add3A_196, %sign3A_202 : i32
    %sign3A_204 = arith.extui %sign3A_203 : i1 to i32
    %sign3A_205 = arith.subi %sign3A_201, %sign3A_204 : i32
    %sign3A_206 = arith.constant 0 : i32
    %sign3A_207 = arith.cmpi sgt, %jit3A_197, %sign3A_206 : i32
    %sign3A_208 = arith.extui %sign3A_207 : i1 to i32
    %sign3A_209 = arith.constant 0 : i32
    %sign3A_210 = arith.cmpi slt, %jit3A_197, %sign3A_209 : i32
    %sign3A_211 = arith.extui %sign3A_210 : i1 to i32
    %sign3A_212 = arith.subi %sign3A_208, %sign3A_211 : i32
    %ne3A_213 = arith.cmpi ne, %sign3A_205, %sign3A_212 : i32
    %rem3A_214 = arith.remsi %add3A_196, %jit3A_197 : i32
    %ne3A_215 = arith.constant 0 : i32
    %ne3A_216 = arith.cmpi ne, %rem3A_214, %ne3A_215 : i32
    %and3A_217 = arith.andi %ne3A_213, %ne3A_216 : i1
    %sub3A_218 = arith.constant 1 : i32
    %sub3A_219 = arith.subi %div3A_198, %sub3A_218 : i32
    %select_n3A_220 = arith.select %and3A_217, %sub3A_219, %div3A_198 : i32
    %jit3A_221 = arith.constant 8 : i32
    %eq3A_222 = arith.constant 0 : i32
    %eq3A_223 = arith.cmpi eq, %jit3A_221, %eq3A_222 : i32
    %jit3A_224 = arith.constant 1 : i32
    %select_n3A_225 = arith.select %eq3A_223, %jit3A_224, %jit3A_221 : i32
    %rem3A_226 = arith.remsi %add3A_196, %select_n3A_225 : i32
    %ne3A_227 = arith.constant 0 : i32
    %ne3A_228 = arith.cmpi ne, %rem3A_226, %ne3A_227 : i32
    %lt3A_229 = arith.constant 0 : i32
    %lt3A_230 = arith.cmpi slt, %rem3A_226, %lt3A_229 : i32
    %lt3A_231 = arith.constant 0 : i32
    %lt3A_232 = arith.cmpi slt, %select_n3A_225, %lt3A_231 : i32
    %ne3A_233 = arith.xori %lt3A_230, %lt3A_232 : i1
    %and3A_234 = arith.andi %ne3A_233, %ne3A_228 : i1
    %add3A_235 = arith.addi %rem3A_226, %select_n3A_225 : i32
    %select_n3A_236 = arith.select %and3A_234, %add3A_235, %rem3A_226 : i32
    %mul3A_237 = arith.constant 8 : i32
    %mul3A_238 = arith.muli %select_n3A_220, %mul3A_237 : i32
    %multiple_of3A_239 = tpu.assume_multiple %mul3A_238, 8 : i32
    %mul3A_240 = arith.constant 1024 : i32
    %mul3A_241 = arith.muli %select_n3A_236, %mul3A_240 : i32
    %multiple_of3A_242 = tpu.assume_multiple %mul3A_241, 1024 : i32
    %dma_start3A_243 = tpu.memref_slice %arg5[%multiple_of3A_239] : memref<288xi32, #tpu.memory_space<vmem>> -> memref<8xi32, #tpu.memory_space<vmem>>
    %dma_start3A_244 = arith.constant 0 : i32
    %dma_start3A_245 = tpu.memref_slice %arg2[%dma_start3A_244, %multiple_of3A_242] : memref<8192x8192xf32, #tpu.memory_space<hbm>> -> memref<8192x1024xf32, #tpu.memory_space<hbm>>
    tpu.enqueue_indirect_dma source(%dma_start3A_245 : memref<8192x1024xf32, #tpu.memory_space<hbm>>) target(%arg10 : memref<8x1024xf32, #tpu.memory_space<vmem>>) offsets(%dma_start3A_243 : memref<8xi32, #tpu.memory_space<vmem>>) semaphore(%arg19 : memref<!tpu.dma_semaphore, #tpu.memory_space<semaphore_mem>>)
    %add3A_246 = arith.constant 160 : i32
    %add3A_247 = arith.addi %add3A, %add3A_246 : i32
    %jit3A_248 = arith.constant 8 : i32
    %div3A_249 = arith.divsi %add3A_247, %jit3A_248 : i32
    %sign3A_250 = arith.constant 0 : i32
    %sign3A_251 = arith.cmpi sgt, %add3A_247, %sign3A_250 : i32
    %sign3A_252 = arith.extui %sign3A_251 : i1 to i32
    %sign3A_253 = arith.constant 0 : i32
    %sign3A_254 = arith.cmpi slt, %add3A_247, %sign3A_253 : i32
    %sign3A_255 = arith.extui %sign3A_254 : i1 to i32
    %sign3A_256 = arith.subi %sign3A_252, %sign3A_255 : i32
    %sign3A_257 = arith.constant 0 : i32
    %sign3A_258 = arith.cmpi sgt, %jit3A_248, %sign3A_257 : i32
    %sign3A_259 = arith.extui %sign3A_258 : i1 to i32
    %sign3A_260 = arith.constant 0 : i32
    %sign3A_261 = arith.cmpi slt, %jit3A_248, %sign3A_260 : i32
    %sign3A_262 = arith.extui %sign3A_261 : i1 to i32
    %sign3A_263 = arith.subi %sign3A_259, %sign3A_262 : i32
    %ne3A_264 = arith.cmpi ne, %sign3A_256, %sign3A_263 : i32
    %rem3A_265 = arith.remsi %add3A_247, %jit3A_248 : i32
    %ne3A_266 = arith.constant 0 : i32
    %ne3A_267 = arith.cmpi ne, %rem3A_265, %ne3A_266 : i32
    %and3A_268 = arith.andi %ne3A_264, %ne3A_267 : i1
    %sub3A_269 = arith.constant 1 : i32
    %sub3A_270 = arith.subi %div3A_249, %sub3A_269 : i32
    %select_n3A_271 = arith.select %and3A_268, %sub3A_270, %div3A_249 : i32
    %jit3A_272 = arith.constant 8 : i32
    %eq3A_273 = arith.constant 0 : i32
    %eq3A_274 = arith.cmpi eq, %jit3A_272, %eq3A_273 : i32
    %jit3A_275 = arith.constant 1 : i32
    %select_n3A_276 = arith.select %eq3A_274, %jit3A_275, %jit3A_272 : i32
    %rem3A_277 = arith.remsi %add3A_247, %select_n3A_276 : i32
    %ne3A_278 = arith.constant 0 : i32
    %ne3A_279 = arith.cmpi ne, %rem3A_277, %ne3A_278 : i32
    %lt3A_280 = arith.constant 0 : i32
    %lt3A_281 = arith.cmpi slt, %rem3A_277, %lt3A_280 : i32
    %lt3A_282 = arith.constant 0 : i32
    %lt3A_283 = arith.cmpi slt, %select_n3A_276, %lt3A_282 : i32
    %ne3A_284 = arith.xori %lt3A_281, %lt3A_283 : i1
    %and3A_285 = arith.andi %ne3A_284, %ne3A_279 : i1
    %add3A_286 = arith.addi %rem3A_277, %select_n3A_276 : i32
    %select_n3A_287 = arith.select %and3A_285, %add3A_286, %rem3A_277 : i32
    %mul3A_288 = arith.constant 8 : i32
    %mul3A_289 = arith.muli %select_n3A_271, %mul3A_288 : i32
    %multiple_of3A_290 = tpu.assume_multiple %mul3A_289, 8 : i32
    %mul3A_291 = arith.constant 1024 : i32
    %mul3A_292 = arith.muli %select_n3A_287, %mul3A_291 : i32
    %multiple_of3A_293 = tpu.assume_multiple %mul3A_292, 1024 : i32
    %dma_start3A_294 = tpu.memref_slice %arg5[%multiple_of3A_290] : memref<288xi32, #tpu.memory_space<vmem>> -> memref<8xi32, #tpu.memory_space<vmem>>
    %dma_start3A_295 = arith.constant 0 : i32
    %dma_start3A_296 = tpu.memref_slice %arg2[%dma_start3A_295, %multiple_of3A_293] : memref<8192x8192xf32, #tpu.memory_space<hbm>> -> memref<8192x1024xf32, #tpu.memory_space<hbm>>
    tpu.enqueue_indirect_dma source(%dma_start3A_296 : memref<8192x1024xf32, #tpu.memory_space<hbm>>) target(%arg11 : memref<8x1024xf32, #tpu.memory_space<vmem>>) offsets(%dma_start3A_294 : memref<8xi32, #tpu.memory_space<vmem>>) semaphore(%arg20 : memref<!tpu.dma_semaphore, #tpu.memory_space<semaphore_mem>>)
    %add3A_297 = arith.constant 192 : i32
    %add3A_298 = arith.addi %add3A, %add3A_297 : i32
    %jit3A_299 = arith.constant 8 : i32
    %div3A_300 = arith.divsi %add3A_298, %jit3A_299 : i32
    %sign3A_301 = arith.constant 0 : i32
    %sign3A_302 = arith.cmpi sgt, %add3A_298, %sign3A_301 : i32
    %sign3A_303 = arith.extui %sign3A_302 : i1 to i32
    %sign3A_304 = arith.constant 0 : i32
    %sign3A_305 = arith.cmpi slt, %add3A_298, %sign3A_304 : i32
    %sign3A_306 = arith.extui %sign3A_305 : i1 to i32
    %sign3A_307 = arith.subi %sign3A_303, %sign3A_306 : i32
    %sign3A_308 = arith.constant 0 : i32
    %sign3A_309 = arith.cmpi sgt, %jit3A_299, %sign3A_308 : i32
    %sign3A_310 = arith.extui %sign3A_309 : i1 to i32
    %sign3A_311 = arith.constant 0 : i32
    %sign3A_312 = arith.cmpi slt, %jit3A_299, %sign3A_311 : i32
    %sign3A_313 = arith.extui %sign3A_312 : i1 to i32
    %sign3A_314 = arith.subi %sign3A_310, %sign3A_313 : i32
    %ne3A_315 = arith.cmpi ne, %sign3A_307, %sign3A_314 : i32
    %rem3A_316 = arith.remsi %add3A_298, %jit3A_299 : i32
    %ne3A_317 = arith.constant 0 : i32
    %ne3A_318 = arith.cmpi ne, %rem3A_316, %ne3A_317 : i32
    %and3A_319 = arith.andi %ne3A_315, %ne3A_318 : i1
    %sub3A_320 = arith.constant 1 : i32
    %sub3A_321 = arith.subi %div3A_300, %sub3A_320 : i32
    %select_n3A_322 = arith.select %and3A_319, %sub3A_321, %div3A_300 : i32
    %jit3A_323 = arith.constant 8 : i32
    %eq3A_324 = arith.constant 0 : i32
    %eq3A_325 = arith.cmpi eq, %jit3A_323, %eq3A_324 : i32
    %jit3A_326 = arith.constant 1 : i32
    %select_n3A_327 = arith.select %eq3A_325, %jit3A_326, %jit3A_323 : i32
    %rem3A_328 = arith.remsi %add3A_298, %select_n3A_327 : i32
    %ne3A_329 = arith.constant 0 : i32
    %ne3A_330 = arith.cmpi ne, %rem3A_328, %ne3A_329 : i32
    %lt3A_331 = arith.constant 0 : i32
    %lt3A_332 = arith.cmpi slt, %rem3A_328, %lt3A_331 : i32
    %lt3A_333 = arith.constant 0 : i32
    %lt3A_334 = arith.cmpi slt, %select_n3A_327, %lt3A_333 : i32
    %ne3A_335 = arith.xori %lt3A_332, %lt3A_334 : i1
    %and3A_336 = arith.andi %ne3A_335, %ne3A_330 : i1
    %add3A_337 = arith.addi %rem3A_328, %select_n3A_327 : i32
    %select_n3A_338 = arith.select %and3A_336, %add3A_337, %rem3A_328 : i32
    %mul3A_339 = arith.constant 8 : i32
    %mul3A_340 = arith.muli %select_n3A_322, %mul3A_339 : i32
    %multiple_of3A_341 = tpu.assume_multiple %mul3A_340, 8 : i32
    %mul3A_342 = arith.constant 1024 : i32
    %mul3A_343 = arith.muli %select_n3A_338, %mul3A_342 : i32
    %multiple_of3A_344 = tpu.assume_multiple %mul3A_343, 1024 : i32
    %dma_start3A_345 = tpu.memref_slice %arg5[%multiple_of3A_341] : memref<288xi32, #tpu.memory_space<vmem>> -> memref<8xi32, #tpu.memory_space<vmem>>
    %dma_start3A_346 = arith.constant 0 : i32
    %dma_start3A_347 = tpu.memref_slice %arg2[%dma_start3A_346, %multiple_of3A_344] : memref<8192x8192xf32, #tpu.memory_space<hbm>> -> memref<8192x1024xf32, #tpu.memory_space<hbm>>
    tpu.enqueue_indirect_dma source(%dma_start3A_347 : memref<8192x1024xf32, #tpu.memory_space<hbm>>) target(%arg12 : memref<8x1024xf32, #tpu.memory_space<vmem>>) offsets(%dma_start3A_345 : memref<8xi32, #tpu.memory_space<vmem>>) semaphore(%arg21 : memref<!tpu.dma_semaphore, #tpu.memory_space<semaphore_mem>>)
    %add3A_348 = arith.constant 224 : i32
    %add3A_349 = arith.addi %add3A, %add3A_348 : i32
    %jit3A_350 = arith.constant 8 : i32
    %div3A_351 = arith.divsi %add3A_349, %jit3A_350 : i32
    %sign3A_352 = arith.constant 0 : i32
    %sign3A_353 = arith.cmpi sgt, %add3A_349, %sign3A_352 : i32
    %sign3A_354 = arith.extui %sign3A_353 : i1 to i32
    %sign3A_355 = arith.constant 0 : i32
    %sign3A_356 = arith.cmpi slt, %add3A_349, %sign3A_355 : i32
    %sign3A_357 = arith.extui %sign3A_356 : i1 to i32
    %sign3A_358 = arith.subi %sign3A_354, %sign3A_357 : i32
    %sign3A_359 = arith.constant 0 : i32
    %sign3A_360 = arith.cmpi sgt, %jit3A_350, %sign3A_359 : i32
    %sign3A_361 = arith.extui %sign3A_360 : i1 to i32
    %sign3A_362 = arith.constant 0 : i32
    %sign3A_363 = arith.cmpi slt, %jit3A_350, %sign3A_362 : i32
    %sign3A_364 = arith.extui %sign3A_363 : i1 to i32
    %sign3A_365 = arith.subi %sign3A_361, %sign3A_364 : i32
    %ne3A_366 = arith.cmpi ne, %sign3A_358, %sign3A_365 : i32
    %rem3A_367 = arith.remsi %add3A_349, %jit3A_350 : i32
    %ne3A_368 = arith.constant 0 : i32
    %ne3A_369 = arith.cmpi ne, %rem3A_367, %ne3A_368 : i32
    %and3A_370 = arith.andi %ne3A_366, %ne3A_369 : i1
    %sub3A_371 = arith.constant 1 : i32
    %sub3A_372 = arith.subi %div3A_351, %sub3A_371 : i32
    %select_n3A_373 = arith.select %and3A_370, %sub3A_372, %div3A_351 : i32
    %jit3A_374 = arith.constant 8 : i32
    %eq3A_375 = arith.constant 0 : i32
    %eq3A_376 = arith.cmpi eq, %jit3A_374, %eq3A_375 : i32
    %jit3A_377 = arith.constant 1 : i32
    %select_n3A_378 = arith.select %eq3A_376, %jit3A_377, %jit3A_374 : i32
    %rem3A_379 = arith.remsi %add3A_349, %select_n3A_378 : i32
    %ne3A_380 = arith.constant 0 : i32
    %ne3A_381 = arith.cmpi ne, %rem3A_379, %ne3A_380 : i32
    %lt3A_382 = arith.constant 0 : i32
    %lt3A_383 = arith.cmpi slt, %rem3A_379, %lt3A_382 : i32
    %lt3A_384 = arith.constant 0 : i32
    %lt3A_385 = arith.cmpi slt, %select_n3A_378, %lt3A_384 : i32
    %ne3A_386 = arith.xori %lt3A_383, %lt3A_385 : i1
    %and3A_387 = arith.andi %ne3A_386, %ne3A_381 : i1
    %add3A_388 = arith.addi %rem3A_379, %select_n3A_378 : i32
    %select_n3A_389 = arith.select %and3A_387, %add3A_388, %rem3A_379 : i32
    %mul3A_390 = arith.constant 8 : i32
    %mul3A_391 = arith.muli %select_n3A_373, %mul3A_390 : i32
    %multiple_of3A_392 = tpu.assume_multiple %mul3A_391, 8 : i32
    %mul3A_393 = arith.constant 1024 : i32
    %mul3A_394 = arith.muli %select_n3A_389, %mul3A_393 : i32
    %multiple_of3A_395 = tpu.assume_multiple %mul3A_394, 1024 : i32
    %dma_start3A_396 = tpu.memref_slice %arg5[%multiple_of3A_392] : memref<288xi32, #tpu.memory_space<vmem>> -> memref<8xi32, #tpu.memory_space<vmem>>
    %dma_start3A_397 = arith.constant 0 : i32
    %dma_start3A_398 = tpu.memref_slice %arg2[%dma_start3A_397, %multiple_of3A_395] : memref<8192x8192xf32, #tpu.memory_space<hbm>> -> memref<8192x1024xf32, #tpu.memory_space<hbm>>
    tpu.enqueue_indirect_dma source(%dma_start3A_398 : memref<8192x1024xf32, #tpu.memory_space<hbm>>) target(%arg13 : memref<8x1024xf32, #tpu.memory_space<vmem>>) offsets(%dma_start3A_396 : memref<8xi32, #tpu.memory_space<vmem>>) semaphore(%arg22 : memref<!tpu.dma_semaphore, #tpu.memory_space<semaphore_mem>>)
    %add3A_399 = arith.constant 256 : i32
    %add3A_400 = arith.addi %add3A, %add3A_399 : i32
    %jit3A_401 = arith.constant 8 : i32
    %div3A_402 = arith.divsi %add3A_400, %jit3A_401 : i32
    %sign3A_403 = arith.constant 0 : i32
    %sign3A_404 = arith.cmpi sgt, %add3A_400, %sign3A_403 : i32
    %sign3A_405 = arith.extui %sign3A_404 : i1 to i32
    %sign3A_406 = arith.constant 0 : i32
    %sign3A_407 = arith.cmpi slt, %add3A_400, %sign3A_406 : i32
    %sign3A_408 = arith.extui %sign3A_407 : i1 to i32
    %sign3A_409 = arith.subi %sign3A_405, %sign3A_408 : i32
    %sign3A_410 = arith.constant 0 : i32
    %sign3A_411 = arith.cmpi sgt, %jit3A_401, %sign3A_410 : i32
    %sign3A_412 = arith.extui %sign3A_411 : i1 to i32
    %sign3A_413 = arith.constant 0 : i32
    %sign3A_414 = arith.cmpi slt, %jit3A_401, %sign3A_413 : i32
    %sign3A_415 = arith.extui %sign3A_414 : i1 to i32
    %sign3A_416 = arith.subi %sign3A_412, %sign3A_415 : i32
    %ne3A_417 = arith.cmpi ne, %sign3A_409, %sign3A_416 : i32
    %rem3A_418 = arith.remsi %add3A_400, %jit3A_401 : i32
    %ne3A_419 = arith.constant 0 : i32
    %ne3A_420 = arith.cmpi ne, %rem3A_418, %ne3A_419 : i32
    %and3A_421 = arith.andi %ne3A_417, %ne3A_420 : i1
    %sub3A_422 = arith.constant 1 : i32
    %sub3A_423 = arith.subi %div3A_402, %sub3A_422 : i32
    %select_n3A_424 = arith.select %and3A_421, %sub3A_423, %div3A_402 : i32
    %jit3A_425 = arith.constant 8 : i32
    %eq3A_426 = arith.constant 0 : i32
    %eq3A_427 = arith.cmpi eq, %jit3A_425, %eq3A_426 : i32
    %jit3A_428 = arith.constant 1 : i32
    %select_n3A_429 = arith.select %eq3A_427, %jit3A_428, %jit3A_425 : i32
    %rem3A_430 = arith.remsi %add3A_400, %select_n3A_429 : i32
    %ne3A_431 = arith.constant 0 : i32
    %ne3A_432 = arith.cmpi ne, %rem3A_430, %ne3A_431 : i32
    %lt3A_433 = arith.constant 0 : i32
    %lt3A_434 = arith.cmpi slt, %rem3A_430, %lt3A_433 : i32
    %lt3A_435 = arith.constant 0 : i32
    %lt3A_436 = arith.cmpi slt, %select_n3A_429, %lt3A_435 : i32
    %ne3A_437 = arith.xori %lt3A_434, %lt3A_436 : i1
    %and3A_438 = arith.andi %ne3A_437, %ne3A_432 : i1
    %add3A_439 = arith.addi %rem3A_430, %select_n3A_429 : i32
    %select_n3A_440 = arith.select %and3A_438, %add3A_439, %rem3A_430 : i32
    %mul3A_441 = arith.constant 8 : i32
    %mul3A_442 = arith.muli %select_n3A_424, %mul3A_441 : i32
    %multiple_of3A_443 = tpu.assume_multiple %mul3A_442, 8 : i32
    %mul3A_444 = arith.constant 1024 : i32
    %mul3A_445 = arith.muli %select_n3A_440, %mul3A_444 : i32
    %multiple_of3A_446 = tpu.assume_multiple %mul3A_445, 1024 : i32
    %dma_start3A_447 = tpu.memref_slice %arg5[%multiple_of3A_443] : memref<288xi32, #tpu.memory_space<vmem>> -> memref<8xi32, #tpu.memory_space<vmem>>
    %dma_start3A_448 = arith.constant 0 : i32
    %dma_start3A_449 = tpu.memref_slice %arg2[%dma_start3A_448, %multiple_of3A_446] : memref<8192x8192xf32, #tpu.memory_space<hbm>> -> memref<8192x1024xf32, #tpu.memory_space<hbm>>
    tpu.enqueue_indirect_dma source(%dma_start3A_449 : memref<8192x1024xf32, #tpu.memory_space<hbm>>) target(%arg14 : memref<8x1024xf32, #tpu.memory_space<vmem>>) offsets(%dma_start3A_447 : memref<8xi32, #tpu.memory_space<vmem>>) semaphore(%arg23 : memref<!tpu.dma_semaphore, #tpu.memory_space<semaphore_mem>>)
    %add3A_450 = arith.constant 0 : i32
    %add3A_451 = arith.addi %add3A, %add3A_450 : i32
    %jit3A_452 = arith.constant 8 : i32
    %div3A_453 = arith.divsi %add3A_451, %jit3A_452 : i32
    %sign3A_454 = arith.constant 0 : i32
    %sign3A_455 = arith.cmpi sgt, %add3A_451, %sign3A_454 : i32
    %sign3A_456 = arith.extui %sign3A_455 : i1 to i32
    %sign3A_457 = arith.constant 0 : i32
    %sign3A_458 = arith.cmpi slt, %add3A_451, %sign3A_457 : i32
    %sign3A_459 = arith.extui %sign3A_458 : i1 to i32
    %sign3A_460 = arith.subi %sign3A_456, %sign3A_459 : i32
    %sign3A_461 = arith.constant 0 : i32
    %sign3A_462 = arith.cmpi sgt, %jit3A_452, %sign3A_461 : i32
    %sign3A_463 = arith.extui %sign3A_462 : i1 to i32
    %sign3A_464 = arith.constant 0 : i32
    %sign3A_465 = arith.cmpi slt, %jit3A_452, %sign3A_464 : i32
    %sign3A_466 = arith.extui %sign3A_465 : i1 to i32
    %sign3A_467 = arith.subi %sign3A_463, %sign3A_466 : i32
    %ne3A_468 = arith.cmpi ne, %sign3A_460, %sign3A_467 : i32
    %rem3A_469 = arith.remsi %add3A_451, %jit3A_452 : i32
    %ne3A_470 = arith.constant 0 : i32
    %ne3A_471 = arith.cmpi ne, %rem3A_469, %ne3A_470 : i32
    %and3A_472 = arith.andi %ne3A_468, %ne3A_471 : i1
    %sub3A_473 = arith.constant 1 : i32
    %sub3A_474 = arith.subi %div3A_453, %sub3A_473 : i32
    %select_n3A_475 = arith.select %and3A_472, %sub3A_474, %div3A_453 : i32
    %jit3A_476 = arith.constant 8 : i32
    %eq3A_477 = arith.constant 0 : i32
    %eq3A_478 = arith.cmpi eq, %jit3A_476, %eq3A_477 : i32
    %jit3A_479 = arith.constant 1 : i32
    %select_n3A_480 = arith.select %eq3A_478, %jit3A_479, %jit3A_476 : i32
    %rem3A_481 = arith.remsi %add3A_451, %select_n3A_480 : i32
    %ne3A_482 = arith.constant 0 : i32
    %ne3A_483 = arith.cmpi ne, %rem3A_481, %ne3A_482 : i32
    %lt3A_484 = arith.constant 0 : i32
    %lt3A_485 = arith.cmpi slt, %rem3A_481, %lt3A_484 : i32
    %lt3A_486 = arith.constant 0 : i32
    %lt3A_487 = arith.cmpi slt, %select_n3A_480, %lt3A_486 : i32
    %ne3A_488 = arith.xori %lt3A_485, %lt3A_487 : i1
    %and3A_489 = arith.andi %ne3A_488, %ne3A_483 : i1
    %add3A_490 = arith.addi %rem3A_481, %select_n3A_480 : i32
    %select_n3A_491 = arith.select %and3A_489, %add3A_490, %rem3A_481 : i32
    %mul3A_492 = arith.constant 8 : i32
    %mul3A_493 = arith.muli %select_n3A_475, %mul3A_492 : i32
    %multiple_of3A_494 = tpu.assume_multiple %mul3A_493, 8 : i32
    %mul3A_495 = arith.constant 1024 : i32
    %mul3A_496 = arith.muli %select_n3A_491, %mul3A_495 : i32
    %multiple_of3A_497 = tpu.assume_multiple %mul3A_496, 1024 : i32
    %dma_wait3A = tpu.memref_slice %arg5[%multiple_of3A_494] : memref<288xi32, #tpu.memory_space<vmem>> -> memref<8xi32, #tpu.memory_space<vmem>>
    %dma_wait3A_498 = arith.constant 0 : i32
    %dma_wait3A_499 = tpu.memref_slice %arg2[%dma_wait3A_498, %multiple_of3A_497] : memref<8192x8192xf32, #tpu.memory_space<hbm>> -> memref<8192x1024xf32, #tpu.memory_space<hbm>>
    tpu.wait_indirect_dma semaphore(%arg15 : memref<!tpu.dma_semaphore, #tpu.memory_space<semaphore_mem>>) src(%dma_wait3A_499 : memref<8192x1024xf32, #tpu.memory_space<hbm>>) dst(%arg6 : memref<8x1024xf32, #tpu.memory_space<vmem>>)
    %dma_start3A_500 = tpu.memref_slice %arg4[%multiple_of3A_494, %multiple_of3A_497] : memref<288x8192xf32, #tpu.memory_space<hbm>> -> memref<8x1024xf32, #tpu.memory_space<hbm>>
    %dma_start3A_501 = tpu.memref_slice %arg4[%multiple_of3A_494, %multiple_of3A_497] : memref<288x8192xf32, #tpu.memory_space<hbm>> -> memref<8x1024xf32, #tpu.memory_space<hbm>>
    tpu.enqueue_dma source(%arg6 : memref<8x1024xf32, #tpu.memory_space<vmem>>) target(%dma_start3A_501 : memref<8x1024xf32, #tpu.memory_space<hbm>>) target_semaphore(%arg24 : memref<!tpu.dma_semaphore, #tpu.memory_space<semaphore_mem>>)
    %add3A_502 = arith.constant 32 : i32
    %add3A_503 = arith.addi %add3A, %add3A_502 : i32
    %jit3A_504 = arith.constant 8 : i32
    %div3A_505 = arith.divsi %add3A_503, %jit3A_504 : i32
    %sign3A_506 = arith.constant 0 : i32
    %sign3A_507 = arith.cmpi sgt, %add3A_503, %sign3A_506 : i32
    %sign3A_508 = arith.extui %sign3A_507 : i1 to i32
    %sign3A_509 = arith.constant 0 : i32
    %sign3A_510 = arith.cmpi slt, %add3A_503, %sign3A_509 : i32
    %sign3A_511 = arith.extui %sign3A_510 : i1 to i32
    %sign3A_512 = arith.subi %sign3A_508, %sign3A_511 : i32
    %sign3A_513 = arith.constant 0 : i32
    %sign3A_514 = arith.cmpi sgt, %jit3A_504, %sign3A_513 : i32
    %sign3A_515 = arith.extui %sign3A_514 : i1 to i32
    %sign3A_516 = arith.constant 0 : i32
    %sign3A_517 = arith.cmpi slt, %jit3A_504, %sign3A_516 : i32
    %sign3A_518 = arith.extui %sign3A_517 : i1 to i32
    %sign3A_519 = arith.subi %sign3A_515, %sign3A_518 : i32
    %ne3A_520 = arith.cmpi ne, %sign3A_512, %sign3A_519 : i32
    %rem3A_521 = arith.remsi %add3A_503, %jit3A_504 : i32
    %ne3A_522 = arith.constant 0 : i32
    %ne3A_523 = arith.cmpi ne, %rem3A_521, %ne3A_522 : i32
    %and3A_524 = arith.andi %ne3A_520, %ne3A_523 : i1
    %sub3A_525 = arith.constant 1 : i32
    %sub3A_526 = arith.subi %div3A_505, %sub3A_525 : i32
    %select_n3A_527 = arith.select %and3A_524, %sub3A_526, %div3A_505 : i32
    %jit3A_528 = arith.constant 8 : i32
    %eq3A_529 = arith.constant 0 : i32
    %eq3A_530 = arith.cmpi eq, %jit3A_528, %eq3A_529 : i32
    %jit3A_531 = arith.constant 1 : i32
    %select_n3A_532 = arith.select %eq3A_530, %jit3A_531, %jit3A_528 : i32
    %rem3A_533 = arith.remsi %add3A_503, %select_n3A_532 : i32
    %ne3A_534 = arith.constant 0 : i32
    %ne3A_535 = arith.cmpi ne, %rem3A_533, %ne3A_534 : i32
    %lt3A_536 = arith.constant 0 : i32
    %lt3A_537 = arith.cmpi slt, %rem3A_533, %lt3A_536 : i32
    %lt3A_538 = arith.constant 0 : i32
    %lt3A_539 = arith.cmpi slt, %select_n3A_532, %lt3A_538 : i32
    %ne3A_540 = arith.xori %lt3A_537, %lt3A_539 : i1
    %and3A_541 = arith.andi %ne3A_540, %ne3A_535 : i1
    %add3A_542 = arith.addi %rem3A_533, %select_n3A_532 : i32
    %select_n3A_543 = arith.select %and3A_541, %add3A_542, %rem3A_533 : i32
    %mul3A_544 = arith.constant 8 : i32
    %mul3A_545 = arith.muli %select_n3A_527, %mul3A_544 : i32
    %multiple_of3A_546 = tpu.assume_multiple %mul3A_545, 8 : i32
    %mul3A_547 = arith.constant 1024 : i32
    %mul3A_548 = arith.muli %select_n3A_543, %mul3A_547 : i32
    %multiple_of3A_549 = tpu.assume_multiple %mul3A_548, 1024 : i32
    %dma_wait3A_550 = tpu.memref_slice %arg5[%multiple_of3A_546] : memref<288xi32, #tpu.memory_space<vmem>> -> memref<8xi32, #tpu.memory_space<vmem>>
    %dma_wait3A_551 = arith.constant 0 : i32
    %dma_wait3A_552 = tpu.memref_slice %arg2[%dma_wait3A_551, %multiple_of3A_549] : memref<8192x8192xf32, #tpu.memory_space<hbm>> -> memref<8192x1024xf32, #tpu.memory_space<hbm>>
    tpu.wait_indirect_dma semaphore(%arg16 : memref<!tpu.dma_semaphore, #tpu.memory_space<semaphore_mem>>) src(%dma_wait3A_552 : memref<8192x1024xf32, #tpu.memory_space<hbm>>) dst(%arg7 : memref<8x1024xf32, #tpu.memory_space<vmem>>)
    %dma_start3A_553 = tpu.memref_slice %arg4[%multiple_of3A_546, %multiple_of3A_549] : memref<288x8192xf32, #tpu.memory_space<hbm>> -> memref<8x1024xf32, #tpu.memory_space<hbm>>
    %dma_start3A_554 = tpu.memref_slice %arg4[%multiple_of3A_546, %multiple_of3A_549] : memref<288x8192xf32, #tpu.memory_space<hbm>> -> memref<8x1024xf32, #tpu.memory_space<hbm>>
    tpu.enqueue_dma source(%arg7 : memref<8x1024xf32, #tpu.memory_space<vmem>>) target(%dma_start3A_554 : memref<8x1024xf32, #tpu.memory_space<hbm>>) target_semaphore(%arg25 : memref<!tpu.dma_semaphore, #tpu.memory_space<semaphore_mem>>)
    %add3A_555 = arith.constant 64 : i32
    %add3A_556 = arith.addi %add3A, %add3A_555 : i32
    %jit3A_557 = arith.constant 8 : i32
    %div3A_558 = arith.divsi %add3A_556, %jit3A_557 : i32
    %sign3A_559 = arith.constant 0 : i32
    %sign3A_560 = arith.cmpi sgt, %add3A_556, %sign3A_559 : i32
    %sign3A_561 = arith.extui %sign3A_560 : i1 to i32
    %sign3A_562 = arith.constant 0 : i32
    %sign3A_563 = arith.cmpi slt, %add3A_556, %sign3A_562 : i32
    %sign3A_564 = arith.extui %sign3A_563 : i1 to i32
    %sign3A_565 = arith.subi %sign3A_561, %sign3A_564 : i32
    %sign3A_566 = arith.constant 0 : i32
    %sign3A_567 = arith.cmpi sgt, %jit3A_557, %sign3A_566 : i32
    %sign3A_568 = arith.extui %sign3A_567 : i1 to i32
    %sign3A_569 = arith.constant 0 : i32
    %sign3A_570 = arith.cmpi slt, %jit3A_557, %sign3A_569 : i32
    %sign3A_571 = arith.extui %sign3A_570 : i1 to i32
    %sign3A_572 = arith.subi %sign3A_568, %sign3A_571 : i32
    %ne3A_573 = arith.cmpi ne, %sign3A_565, %sign3A_572 : i32
    %rem3A_574 = arith.remsi %add3A_556, %jit3A_557 : i32
    %ne3A_575 = arith.constant 0 : i32
    %ne3A_576 = arith.cmpi ne, %rem3A_574, %ne3A_575 : i32
    %and3A_577 = arith.andi %ne3A_573, %ne3A_576 : i1
    %sub3A_578 = arith.constant 1 : i32
    %sub3A_579 = arith.subi %div3A_558, %sub3A_578 : i32
    %select_n3A_580 = arith.select %and3A_577, %sub3A_579, %div3A_558 : i32
    %jit3A_581 = arith.constant 8 : i32
    %eq3A_582 = arith.constant 0 : i32
    %eq3A_583 = arith.cmpi eq, %jit3A_581, %eq3A_582 : i32
    %jit3A_584 = arith.constant 1 : i32
    %select_n3A_585 = arith.select %eq3A_583, %jit3A_584, %jit3A_581 : i32
    %rem3A_586 = arith.remsi %add3A_556, %select_n3A_585 : i32
    %ne3A_587 = arith.constant 0 : i32
    %ne3A_588 = arith.cmpi ne, %rem3A_586, %ne3A_587 : i32
    %lt3A_589 = arith.constant 0 : i32
    %lt3A_590 = arith.cmpi slt, %rem3A_586, %lt3A_589 : i32
    %lt3A_591 = arith.constant 0 : i32
    %lt3A_592 = arith.cmpi slt, %select_n3A_585, %lt3A_591 : i32
    %ne3A_593 = arith.xori %lt3A_590, %lt3A_592 : i1
    %and3A_594 = arith.andi %ne3A_593, %ne3A_588 : i1
    %add3A_595 = arith.addi %rem3A_586, %select_n3A_585 : i32
    %select_n3A_596 = arith.select %and3A_594, %add3A_595, %rem3A_586 : i32
    %mul3A_597 = arith.constant 8 : i32
    %mul3A_598 = arith.muli %select_n3A_580, %mul3A_597 : i32
    %multiple_of3A_599 = tpu.assume_multiple %mul3A_598, 8 : i32
    %mul3A_600 = arith.constant 1024 : i32
    %mul3A_601 = arith.muli %select_n3A_596, %mul3A_600 : i32
    %multiple_of3A_602 = tpu.assume_multiple %mul3A_601, 1024 : i32
    %dma_wait3A_603 = tpu.memref_slice %arg5[%multiple_of3A_599] : memref<288xi32, #tpu.memory_space<vmem>> -> memref<8xi32, #tpu.memory_space<vmem>>
    %dma_wait3A_604 = arith.constant 0 : i32
    %dma_wait3A_605 = tpu.memref_slice %arg2[%dma_wait3A_604, %multiple_of3A_602] : memref<8192x8192xf32, #tpu.memory_space<hbm>> -> memref<8192x1024xf32, #tpu.memory_space<hbm>>
    tpu.wait_indirect_dma semaphore(%arg17 : memref<!tpu.dma_semaphore, #tpu.memory_space<semaphore_mem>>) src(%dma_wait3A_605 : memref<8192x1024xf32, #tpu.memory_space<hbm>>) dst(%arg8 : memref<8x1024xf32, #tpu.memory_space<vmem>>)
    %dma_start3A_606 = tpu.memref_slice %arg4[%multiple_of3A_599, %multiple_of3A_602] : memref<288x8192xf32, #tpu.memory_space<hbm>> -> memref<8x1024xf32, #tpu.memory_space<hbm>>
    %dma_start3A_607 = tpu.memref_slice %arg4[%multiple_of3A_599, %multiple_of3A_602] : memref<288x8192xf32, #tpu.memory_space<hbm>> -> memref<8x1024xf32, #tpu.memory_space<hbm>>
    tpu.enqueue_dma source(%arg8 : memref<8x1024xf32, #tpu.memory_space<vmem>>) target(%dma_start3A_607 : memref<8x1024xf32, #tpu.memory_space<hbm>>) target_semaphore(%arg26 : memref<!tpu.dma_semaphore, #tpu.memory_space<semaphore_mem>>)
    %add3A_608 = arith.constant 96 : i32
    %add3A_609 = arith.addi %add3A, %add3A_608 : i32
    %jit3A_610 = arith.constant 8 : i32
    %div3A_611 = arith.divsi %add3A_609, %jit3A_610 : i32
    %sign3A_612 = arith.constant 0 : i32
    %sign3A_613 = arith.cmpi sgt, %add3A_609, %sign3A_612 : i32
    %sign3A_614 = arith.extui %sign3A_613 : i1 to i32
    %sign3A_615 = arith.constant 0 : i32
    %sign3A_616 = arith.cmpi slt, %add3A_609, %sign3A_615 : i32
    %sign3A_617 = arith.extui %sign3A_616 : i1 to i32
    %sign3A_618 = arith.subi %sign3A_614, %sign3A_617 : i32
    %sign3A_619 = arith.constant 0 : i32
    %sign3A_620 = arith.cmpi sgt, %jit3A_610, %sign3A_619 : i32
    %sign3A_621 = arith.extui %sign3A_620 : i1 to i32
    %sign3A_622 = arith.constant 0 : i32
    %sign3A_623 = arith.cmpi slt, %jit3A_610, %sign3A_622 : i32
    %sign3A_624 = arith.extui %sign3A_623 : i1 to i32
    %sign3A_625 = arith.subi %sign3A_621, %sign3A_624 : i32
    %ne3A_626 = arith.cmpi ne, %sign3A_618, %sign3A_625 : i32
    %rem3A_627 = arith.remsi %add3A_609, %jit3A_610 : i32
    %ne3A_628 = arith.constant 0 : i32
    %ne3A_629 = arith.cmpi ne, %rem3A_627, %ne3A_628 : i32
    %and3A_630 = arith.andi %ne3A_626, %ne3A_629 : i1
    %sub3A_631 = arith.constant 1 : i32
    %sub3A_632 = arith.subi %div3A_611, %sub3A_631 : i32
    %select_n3A_633 = arith.select %and3A_630, %sub3A_632, %div3A_611 : i32
    %jit3A_634 = arith.constant 8 : i32
    %eq3A_635 = arith.constant 0 : i32
    %eq3A_636 = arith.cmpi eq, %jit3A_634, %eq3A_635 : i32
    %jit3A_637 = arith.constant 1 : i32
    %select_n3A_638 = arith.select %eq3A_636, %jit3A_637, %jit3A_634 : i32
    %rem3A_639 = arith.remsi %add3A_609, %select_n3A_638 : i32
    %ne3A_640 = arith.constant 0 : i32
    %ne3A_641 = arith.cmpi ne, %rem3A_639, %ne3A_640 : i32
    %lt3A_642 = arith.constant 0 : i32
    %lt3A_643 = arith.cmpi slt, %rem3A_639, %lt3A_642 : i32
    %lt3A_644 = arith.constant 0 : i32
    %lt3A_645 = arith.cmpi slt, %select_n3A_638, %lt3A_644 : i32
    %ne3A_646 = arith.xori %lt3A_643, %lt3A_645 : i1
    %and3A_647 = arith.andi %ne3A_646, %ne3A_641 : i1
    %add3A_648 = arith.addi %rem3A_639, %select_n3A_638 : i32
    %select_n3A_649 = arith.select %and3A_647, %add3A_648, %rem3A_639 : i32
    %mul3A_650 = arith.constant 8 : i32
    %mul3A_651 = arith.muli %select_n3A_633, %mul3A_650 : i32
    %multiple_of3A_652 = tpu.assume_multiple %mul3A_651, 8 : i32
    %mul3A_653 = arith.constant 1024 : i32
    %mul3A_654 = arith.muli %select_n3A_649, %mul3A_653 : i32
    %multiple_of3A_655 = tpu.assume_multiple %mul3A_654, 1024 : i32
    %dma_wait3A_656 = tpu.memref_slice %arg5[%multiple_of3A_652] : memref<288xi32, #tpu.memory_space<vmem>> -> memref<8xi32, #tpu.memory_space<vmem>>
    %dma_wait3A_657 = arith.constant 0 : i32
    %dma_wait3A_658 = tpu.memref_slice %arg2[%dma_wait3A_657, %multiple_of3A_655] : memref<8192x8192xf32, #tpu.memory_space<hbm>> -> memref<8192x1024xf32, #tpu.memory_space<hbm>>
    tpu.wait_indirect_dma semaphore(%arg18 : memref<!tpu.dma_semaphore, #tpu.memory_space<semaphore_mem>>) src(%dma_wait3A_658 : memref<8192x1024xf32, #tpu.memory_space<hbm>>) dst(%arg9 : memref<8x1024xf32, #tpu.memory_space<vmem>>)
    %dma_start3A_659 = tpu.memref_slice %arg4[%multiple_of3A_652, %multiple_of3A_655] : memref<288x8192xf32, #tpu.memory_space<hbm>> -> memref<8x1024xf32, #tpu.memory_space<hbm>>
    %dma_start3A_660 = tpu.memref_slice %arg4[%multiple_of3A_652, %multiple_of3A_655] : memref<288x8192xf32, #tpu.memory_space<hbm>> -> memref<8x1024xf32, #tpu.memory_space<hbm>>
    tpu.enqueue_dma source(%arg9 : memref<8x1024xf32, #tpu.memory_space<vmem>>) target(%dma_start3A_660 : memref<8x1024xf32, #tpu.memory_space<hbm>>) target_semaphore(%arg27 : memref<!tpu.dma_semaphore, #tpu.memory_space<semaphore_mem>>)
    %add3A_661 = arith.constant 128 : i32
    %add3A_662 = arith.addi %add3A, %add3A_661 : i32
    %jit3A_663 = arith.constant 8 : i32
    %div3A_664 = arith.divsi %add3A_662, %jit3A_663 : i32
    %sign3A_665 = arith.constant 0 : i32
    %sign3A_666 = arith.cmpi sgt, %add3A_662, %sign3A_665 : i32
    %sign3A_667 = arith.extui %sign3A_666 : i1 to i32
    %sign3A_668 = arith.constant 0 : i32
    %sign3A_669 = arith.cmpi slt, %add3A_662, %sign3A_668 : i32
    %sign3A_670 = arith.extui %sign3A_669 : i1 to i32
    %sign3A_671 = arith.subi %sign3A_667, %sign3A_670 : i32
    %sign3A_672 = arith.constant 0 : i32
    %sign3A_673 = arith.cmpi sgt, %jit3A_663, %sign3A_672 : i32
    %sign3A_674 = arith.extui %sign3A_673 : i1 to i32
    %sign3A_675 = arith.constant 0 : i32
    %sign3A_676 = arith.cmpi slt, %jit3A_663, %sign3A_675 : i32
    %sign3A_677 = arith.extui %sign3A_676 : i1 to i32
    %sign3A_678 = arith.subi %sign3A_674, %sign3A_677 : i32
    %ne3A_679 = arith.cmpi ne, %sign3A_671, %sign3A_678 : i32
    %rem3A_680 = arith.remsi %add3A_662, %jit3A_663 : i32
    %ne3A_681 = arith.constant 0 : i32
    %ne3A_682 = arith.cmpi ne, %rem3A_680, %ne3A_681 : i32
    %and3A_683 = arith.andi %ne3A_679, %ne3A_682 : i1
    %sub3A_684 = arith.constant 1 : i32
    %sub3A_685 = arith.subi %div3A_664, %sub3A_684 : i32
    %select_n3A_686 = arith.select %and3A_683, %sub3A_685, %div3A_664 : i32
    %jit3A_687 = arith.constant 8 : i32
    %eq3A_688 = arith.constant 0 : i32
    %eq3A_689 = arith.cmpi eq, %jit3A_687, %eq3A_688 : i32
    %jit3A_690 = arith.constant 1 : i32
    %select_n3A_691 = arith.select %eq3A_689, %jit3A_690, %jit3A_687 : i32
    %rem3A_692 = arith.remsi %add3A_662, %select_n3A_691 : i32
    %ne3A_693 = arith.constant 0 : i32
    %ne3A_694 = arith.cmpi ne, %rem3A_692, %ne3A_693 : i32
    %lt3A_695 = arith.constant 0 : i32
    %lt3A_696 = arith.cmpi slt, %rem3A_692, %lt3A_695 : i32
    %lt3A_697 = arith.constant 0 : i32
    %lt3A_698 = arith.cmpi slt, %select_n3A_691, %lt3A_697 : i32
    %ne3A_699 = arith.xori %lt3A_696, %lt3A_698 : i1
    %and3A_700 = arith.andi %ne3A_699, %ne3A_694 : i1
    %add3A_701 = arith.addi %rem3A_692, %select_n3A_691 : i32
    %select_n3A_702 = arith.select %and3A_700, %add3A_701, %rem3A_692 : i32
    %mul3A_703 = arith.constant 8 : i32
    %mul3A_704 = arith.muli %select_n3A_686, %mul3A_703 : i32
    %multiple_of3A_705 = tpu.assume_multiple %mul3A_704, 8 : i32
    %mul3A_706 = arith.constant 1024 : i32
    %mul3A_707 = arith.muli %select_n3A_702, %mul3A_706 : i32
    %multiple_of3A_708 = tpu.assume_multiple %mul3A_707, 1024 : i32
    %dma_wait3A_709 = tpu.memref_slice %arg5[%multiple_of3A_705] : memref<288xi32, #tpu.memory_space<vmem>> -> memref<8xi32, #tpu.memory_space<vmem>>
    %dma_wait3A_710 = arith.constant 0 : i32
    %dma_wait3A_711 = tpu.memref_slice %arg2[%dma_wait3A_710, %multiple_of3A_708] : memref<8192x8192xf32, #tpu.memory_space<hbm>> -> memref<8192x1024xf32, #tpu.memory_space<hbm>>
    tpu.wait_indirect_dma semaphore(%arg19 : memref<!tpu.dma_semaphore, #tpu.memory_space<semaphore_mem>>) src(%dma_wait3A_711 : memref<8192x1024xf32, #tpu.memory_space<hbm>>) dst(%arg10 : memref<8x1024xf32, #tpu.memory_space<vmem>>)
    %dma_start3A_712 = tpu.memref_slice %arg4[%multiple_of3A_705, %multiple_of3A_708] : memref<288x8192xf32, #tpu.memory_space<hbm>> -> memref<8x1024xf32, #tpu.memory_space<hbm>>
    %dma_start3A_713 = tpu.memref_slice %arg4[%multiple_of3A_705, %multiple_of3A_708] : memref<288x8192xf32, #tpu.memory_space<hbm>> -> memref<8x1024xf32, #tpu.memory_space<hbm>>
    tpu.enqueue_dma source(%arg10 : memref<8x1024xf32, #tpu.memory_space<vmem>>) target(%dma_start3A_713 : memref<8x1024xf32, #tpu.memory_space<hbm>>) target_semaphore(%arg28 : memref<!tpu.dma_semaphore, #tpu.memory_space<semaphore_mem>>)
    %add3A_714 = arith.constant 160 : i32
    %add3A_715 = arith.addi %add3A, %add3A_714 : i32
    %jit3A_716 = arith.constant 8 : i32
    %div3A_717 = arith.divsi %add3A_715, %jit3A_716 : i32
    %sign3A_718 = arith.constant 0 : i32
    %sign3A_719 = arith.cmpi sgt, %add3A_715, %sign3A_718 : i32
    %sign3A_720 = arith.extui %sign3A_719 : i1 to i32
    %sign3A_721 = arith.constant 0 : i32
    %sign3A_722 = arith.cmpi slt, %add3A_715, %sign3A_721 : i32
    %sign3A_723 = arith.extui %sign3A_722 : i1 to i32
    %sign3A_724 = arith.subi %sign3A_720, %sign3A_723 : i32
    %sign3A_725 = arith.constant 0 : i32
    %sign3A_726 = arith.cmpi sgt, %jit3A_716, %sign3A_725 : i32
    %sign3A_727 = arith.extui %sign3A_726 : i1 to i32
    %sign3A_728 = arith.constant 0 : i32
    %sign3A_729 = arith.cmpi slt, %jit3A_716, %sign3A_728 : i32
    %sign3A_730 = arith.extui %sign3A_729 : i1 to i32
    %sign3A_731 = arith.subi %sign3A_727, %sign3A_730 : i32
    %ne3A_732 = arith.cmpi ne, %sign3A_724, %sign3A_731 : i32
    %rem3A_733 = arith.remsi %add3A_715, %jit3A_716 : i32
    %ne3A_734 = arith.constant 0 : i32
    %ne3A_735 = arith.cmpi ne, %rem3A_733, %ne3A_734 : i32
    %and3A_736 = arith.andi %ne3A_732, %ne3A_735 : i1
    %sub3A_737 = arith.constant 1 : i32
    %sub3A_738 = arith.subi %div3A_717, %sub3A_737 : i32
    %select_n3A_739 = arith.select %and3A_736, %sub3A_738, %div3A_717 : i32
    %jit3A_740 = arith.constant 8 : i32
    %eq3A_741 = arith.constant 0 : i32
    %eq3A_742 = arith.cmpi eq, %jit3A_740, %eq3A_741 : i32
    %jit3A_743 = arith.constant 1 : i32
    %select_n3A_744 = arith.select %eq3A_742, %jit3A_743, %jit3A_740 : i32
    %rem3A_745 = arith.remsi %add3A_715, %select_n3A_744 : i32
    %ne3A_746 = arith.constant 0 : i32
    %ne3A_747 = arith.cmpi ne, %rem3A_745, %ne3A_746 : i32
    %lt3A_748 = arith.constant 0 : i32
    %lt3A_749 = arith.cmpi slt, %rem3A_745, %lt3A_748 : i32
    %lt3A_750 = arith.constant 0 : i32
    %lt3A_751 = arith.cmpi slt, %select_n3A_744, %lt3A_750 : i32
    %ne3A_752 = arith.xori %lt3A_749, %lt3A_751 : i1
    %and3A_753 = arith.andi %ne3A_752, %ne3A_747 : i1
    %add3A_754 = arith.addi %rem3A_745, %select_n3A_744 : i32
    %select_n3A_755 = arith.select %and3A_753, %add3A_754, %rem3A_745 : i32
    %mul3A_756 = arith.constant 8 : i32
    %mul3A_757 = arith.muli %select_n3A_739, %mul3A_756 : i32
    %multiple_of3A_758 = tpu.assume_multiple %mul3A_757, 8 : i32
    %mul3A_759 = arith.constant 1024 : i32
    %mul3A_760 = arith.muli %select_n3A_755, %mul3A_759 : i32
    %multiple_of3A_761 = tpu.assume_multiple %mul3A_760, 1024 : i32
    %dma_wait3A_762 = tpu.memref_slice %arg5[%multiple_of3A_758] : memref<288xi32, #tpu.memory_space<vmem>> -> memref<8xi32, #tpu.memory_space<vmem>>
    %dma_wait3A_763 = arith.constant 0 : i32
    %dma_wait3A_764 = tpu.memref_slice %arg2[%dma_wait3A_763, %multiple_of3A_761] : memref<8192x8192xf32, #tpu.memory_space<hbm>> -> memref<8192x1024xf32, #tpu.memory_space<hbm>>
    tpu.wait_indirect_dma semaphore(%arg20 : memref<!tpu.dma_semaphore, #tpu.memory_space<semaphore_mem>>) src(%dma_wait3A_764 : memref<8192x1024xf32, #tpu.memory_space<hbm>>) dst(%arg11 : memref<8x1024xf32, #tpu.memory_space<vmem>>)
    %dma_start3A_765 = tpu.memref_slice %arg4[%multiple_of3A_758, %multiple_of3A_761] : memref<288x8192xf32, #tpu.memory_space<hbm>> -> memref<8x1024xf32, #tpu.memory_space<hbm>>
    %dma_start3A_766 = tpu.memref_slice %arg4[%multiple_of3A_758, %multiple_of3A_761] : memref<288x8192xf32, #tpu.memory_space<hbm>> -> memref<8x1024xf32, #tpu.memory_space<hbm>>
    tpu.enqueue_dma source(%arg11 : memref<8x1024xf32, #tpu.memory_space<vmem>>) target(%dma_start3A_766 : memref<8x1024xf32, #tpu.memory_space<hbm>>) target_semaphore(%arg29 : memref<!tpu.dma_semaphore, #tpu.memory_space<semaphore_mem>>)
    %add3A_767 = arith.constant 192 : i32
    %add3A_768 = arith.addi %add3A, %add3A_767 : i32
    %jit3A_769 = arith.constant 8 : i32
    %div3A_770 = arith.divsi %add3A_768, %jit3A_769 : i32
    %sign3A_771 = arith.constant 0 : i32
    %sign3A_772 = arith.cmpi sgt, %add3A_768, %sign3A_771 : i32
    %sign3A_773 = arith.extui %sign3A_772 : i1 to i32
    %sign3A_774 = arith.constant 0 : i32
    %sign3A_775 = arith.cmpi slt, %add3A_768, %sign3A_774 : i32
    %sign3A_776 = arith.extui %sign3A_775 : i1 to i32
    %sign3A_777 = arith.subi %sign3A_773, %sign3A_776 : i32
    %sign3A_778 = arith.constant 0 : i32
    %sign3A_779 = arith.cmpi sgt, %jit3A_769, %sign3A_778 : i32
    %sign3A_780 = arith.extui %sign3A_779 : i1 to i32
    %sign3A_781 = arith.constant 0 : i32
    %sign3A_782 = arith.cmpi slt, %jit3A_769, %sign3A_781 : i32
    %sign3A_783 = arith.extui %sign3A_782 : i1 to i32
    %sign3A_784 = arith.subi %sign3A_780, %sign3A_783 : i32
    %ne3A_785 = arith.cmpi ne, %sign3A_777, %sign3A_784 : i32
    %rem3A_786 = arith.remsi %add3A_768, %jit3A_769 : i32
    %ne3A_787 = arith.constant 0 : i32
    %ne3A_788 = arith.cmpi ne, %rem3A_786, %ne3A_787 : i32
    %and3A_789 = arith.andi %ne3A_785, %ne3A_788 : i1
    %sub3A_790 = arith.constant 1 : i32
    %sub3A_791 = arith.subi %div3A_770, %sub3A_790 : i32
    %select_n3A_792 = arith.select %and3A_789, %sub3A_791, %div3A_770 : i32
    %jit3A_793 = arith.constant 8 : i32
    %eq3A_794 = arith.constant 0 : i32
    %eq3A_795 = arith.cmpi eq, %jit3A_793, %eq3A_794 : i32
    %jit3A_796 = arith.constant 1 : i32
    %select_n3A_797 = arith.select %eq3A_795, %jit3A_796, %jit3A_793 : i32
    %rem3A_798 = arith.remsi %add3A_768, %select_n3A_797 : i32
    %ne3A_799 = arith.constant 0 : i32
    %ne3A_800 = arith.cmpi ne, %rem3A_798, %ne3A_799 : i32
    %lt3A_801 = arith.constant 0 : i32
    %lt3A_802 = arith.cmpi slt, %rem3A_798, %lt3A_801 : i32
    %lt3A_803 = arith.constant 0 : i32
    %lt3A_804 = arith.cmpi slt, %select_n3A_797, %lt3A_803 : i32
    %ne3A_805 = arith.xori %lt3A_802, %lt3A_804 : i1
    %and3A_806 = arith.andi %ne3A_805, %ne3A_800 : i1
    %add3A_807 = arith.addi %rem3A_798, %select_n3A_797 : i32
    %select_n3A_808 = arith.select %and3A_806, %add3A_807, %rem3A_798 : i32
    %mul3A_809 = arith.constant 8 : i32
    %mul3A_810 = arith.muli %select_n3A_792, %mul3A_809 : i32
    %multiple_of3A_811 = tpu.assume_multiple %mul3A_810, 8 : i32
    %mul3A_812 = arith.constant 1024 : i32
    %mul3A_813 = arith.muli %select_n3A_808, %mul3A_812 : i32
    %multiple_of3A_814 = tpu.assume_multiple %mul3A_813, 1024 : i32
    %dma_wait3A_815 = tpu.memref_slice %arg5[%multiple_of3A_811] : memref<288xi32, #tpu.memory_space<vmem>> -> memref<8xi32, #tpu.memory_space<vmem>>
    %dma_wait3A_816 = arith.constant 0 : i32
    %dma_wait3A_817 = tpu.memref_slice %arg2[%dma_wait3A_816, %multiple_of3A_814] : memref<8192x8192xf32, #tpu.memory_space<hbm>> -> memref<8192x1024xf32, #tpu.memory_space<hbm>>
    tpu.wait_indirect_dma semaphore(%arg21 : memref<!tpu.dma_semaphore, #tpu.memory_space<semaphore_mem>>) src(%dma_wait3A_817 : memref<8192x1024xf32, #tpu.memory_space<hbm>>) dst(%arg12 : memref<8x1024xf32, #tpu.memory_space<vmem>>)
    %dma_start3A_818 = tpu.memref_slice %arg4[%multiple_of3A_811, %multiple_of3A_814] : memref<288x8192xf32, #tpu.memory_space<hbm>> -> memref<8x1024xf32, #tpu.memory_space<hbm>>
    %dma_start3A_819 = tpu.memref_slice %arg4[%multiple_of3A_811, %multiple_of3A_814] : memref<288x8192xf32, #tpu.memory_space<hbm>> -> memref<8x1024xf32, #tpu.memory_space<hbm>>
    tpu.enqueue_dma source(%arg12 : memref<8x1024xf32, #tpu.memory_space<vmem>>) target(%dma_start3A_819 : memref<8x1024xf32, #tpu.memory_space<hbm>>) target_semaphore(%arg30 : memref<!tpu.dma_semaphore, #tpu.memory_space<semaphore_mem>>)
    %add3A_820 = arith.constant 224 : i32
    %add3A_821 = arith.addi %add3A, %add3A_820 : i32
    %jit3A_822 = arith.constant 8 : i32
    %div3A_823 = arith.divsi %add3A_821, %jit3A_822 : i32
    %sign3A_824 = arith.constant 0 : i32
    %sign3A_825 = arith.cmpi sgt, %add3A_821, %sign3A_824 : i32
    %sign3A_826 = arith.extui %sign3A_825 : i1 to i32
    %sign3A_827 = arith.constant 0 : i32
    %sign3A_828 = arith.cmpi slt, %add3A_821, %sign3A_827 : i32
    %sign3A_829 = arith.extui %sign3A_828 : i1 to i32
    %sign3A_830 = arith.subi %sign3A_826, %sign3A_829 : i32
    %sign3A_831 = arith.constant 0 : i32
    %sign3A_832 = arith.cmpi sgt, %jit3A_822, %sign3A_831 : i32
    %sign3A_833 = arith.extui %sign3A_832 : i1 to i32
    %sign3A_834 = arith.constant 0 : i32
    %sign3A_835 = arith.cmpi slt, %jit3A_822, %sign3A_834 : i32
    %sign3A_836 = arith.extui %sign3A_835 : i1 to i32
    %sign3A_837 = arith.subi %sign3A_833, %sign3A_836 : i32
    %ne3A_838 = arith.cmpi ne, %sign3A_830, %sign3A_837 : i32
    %rem3A_839 = arith.remsi %add3A_821, %jit3A_822 : i32
    %ne3A_840 = arith.constant 0 : i32
    %ne3A_841 = arith.cmpi ne, %rem3A_839, %ne3A_840 : i32
    %and3A_842 = arith.andi %ne3A_838, %ne3A_841 : i1
    %sub3A_843 = arith.constant 1 : i32
    %sub3A_844 = arith.subi %div3A_823, %sub3A_843 : i32
    %select_n3A_845 = arith.select %and3A_842, %sub3A_844, %div3A_823 : i32
    %jit3A_846 = arith.constant 8 : i32
    %eq3A_847 = arith.constant 0 : i32
    %eq3A_848 = arith.cmpi eq, %jit3A_846, %eq3A_847 : i32
    %jit3A_849 = arith.constant 1 : i32
    %select_n3A_850 = arith.select %eq3A_848, %jit3A_849, %jit3A_846 : i32
    %rem3A_851 = arith.remsi %add3A_821, %select_n3A_850 : i32
    %ne3A_852 = arith.constant 0 : i32
    %ne3A_853 = arith.cmpi ne, %rem3A_851, %ne3A_852 : i32
    %lt3A_854 = arith.constant 0 : i32
    %lt3A_855 = arith.cmpi slt, %rem3A_851, %lt3A_854 : i32
    %lt3A_856 = arith.constant 0 : i32
    %lt3A_857 = arith.cmpi slt, %select_n3A_850, %lt3A_856 : i32
    %ne3A_858 = arith.xori %lt3A_855, %lt3A_857 : i1
    %and3A_859 = arith.andi %ne3A_858, %ne3A_853 : i1
    %add3A_860 = arith.addi %rem3A_851, %select_n3A_850 : i32
    %select_n3A_861 = arith.select %and3A_859, %add3A_860, %rem3A_851 : i32
    %mul3A_862 = arith.constant 8 : i32
    %mul3A_863 = arith.muli %select_n3A_845, %mul3A_862 : i32
    %multiple_of3A_864 = tpu.assume_multiple %mul3A_863, 8 : i32
    %mul3A_865 = arith.constant 1024 : i32
    %mul3A_866 = arith.muli %select_n3A_861, %mul3A_865 : i32
    %multiple_of3A_867 = tpu.assume_multiple %mul3A_866, 1024 : i32
    %dma_wait3A_868 = tpu.memref_slice %arg5[%multiple_of3A_864] : memref<288xi32, #tpu.memory_space<vmem>> -> memref<8xi32, #tpu.memory_space<vmem>>
    %dma_wait3A_869 = arith.constant 0 : i32
    %dma_wait3A_870 = tpu.memref_slice %arg2[%dma_wait3A_869, %multiple_of3A_867] : memref<8192x8192xf32, #tpu.memory_space<hbm>> -> memref<8192x1024xf32, #tpu.memory_space<hbm>>
    tpu.wait_indirect_dma semaphore(%arg22 : memref<!tpu.dma_semaphore, #tpu.memory_space<semaphore_mem>>) src(%dma_wait3A_870 : memref<8192x1024xf32, #tpu.memory_space<hbm>>) dst(%arg13 : memref<8x1024xf32, #tpu.memory_space<vmem>>)
    %dma_start3A_871 = tpu.memref_slice %arg4[%multiple_of3A_864, %multiple_of3A_867] : memref<288x8192xf32, #tpu.memory_space<hbm>> -> memref<8x1024xf32, #tpu.memory_space<hbm>>
    %dma_start3A_872 = tpu.memref_slice %arg4[%multiple_of3A_864, %multiple_of3A_867] : memref<288x8192xf32, #tpu.memory_space<hbm>> -> memref<8x1024xf32, #tpu.memory_space<hbm>>
    tpu.enqueue_dma source(%arg13 : memref<8x1024xf32, #tpu.memory_space<vmem>>) target(%dma_start3A_872 : memref<8x1024xf32, #tpu.memory_space<hbm>>) target_semaphore(%arg31 : memref<!tpu.dma_semaphore, #tpu.memory_space<semaphore_mem>>)
    %add3A_873 = arith.constant 256 : i32
    %add3A_874 = arith.addi %add3A, %add3A_873 : i32
    %jit3A_875 = arith.constant 8 : i32
    %div3A_876 = arith.divsi %add3A_874, %jit3A_875 : i32
    %sign3A_877 = arith.constant 0 : i32
    %sign3A_878 = arith.cmpi sgt, %add3A_874, %sign3A_877 : i32
    %sign3A_879 = arith.extui %sign3A_878 : i1 to i32
    %sign3A_880 = arith.constant 0 : i32
    %sign3A_881 = arith.cmpi slt, %add3A_874, %sign3A_880 : i32
    %sign3A_882 = arith.extui %sign3A_881 : i1 to i32
    %sign3A_883 = arith.subi %sign3A_879, %sign3A_882 : i32
    %sign3A_884 = arith.constant 0 : i32
    %sign3A_885 = arith.cmpi sgt, %jit3A_875, %sign3A_884 : i32
    %sign3A_886 = arith.extui %sign3A_885 : i1 to i32
    %sign3A_887 = arith.constant 0 : i32
    %sign3A_888 = arith.cmpi slt, %jit3A_875, %sign3A_887 : i32
    %sign3A_889 = arith.extui %sign3A_888 : i1 to i32
    %sign3A_890 = arith.subi %sign3A_886, %sign3A_889 : i32
    %ne3A_891 = arith.cmpi ne, %sign3A_883, %sign3A_890 : i32
    %rem3A_892 = arith.remsi %add3A_874, %jit3A_875 : i32
    %ne3A_893 = arith.constant 0 : i32
    %ne3A_894 = arith.cmpi ne, %rem3A_892, %ne3A_893 : i32
    %and3A_895 = arith.andi %ne3A_891, %ne3A_894 : i1
    %sub3A_896 = arith.constant 1 : i32
    %sub3A_897 = arith.subi %div3A_876, %sub3A_896 : i32
    %select_n3A_898 = arith.select %and3A_895, %sub3A_897, %div3A_876 : i32
    %jit3A_899 = arith.constant 8 : i32
    %eq3A_900 = arith.constant 0 : i32
    %eq3A_901 = arith.cmpi eq, %jit3A_899, %eq3A_900 : i32
    %jit3A_902 = arith.constant 1 : i32
    %select_n3A_903 = arith.select %eq3A_901, %jit3A_902, %jit3A_899 : i32
    %rem3A_904 = arith.remsi %add3A_874, %select_n3A_903 : i32
    %ne3A_905 = arith.constant 0 : i32
    %ne3A_906 = arith.cmpi ne, %rem3A_904, %ne3A_905 : i32
    %lt3A_907 = arith.constant 0 : i32
    %lt3A_908 = arith.cmpi slt, %rem3A_904, %lt3A_907 : i32
    %lt3A_909 = arith.constant 0 : i32
    %lt3A_910 = arith.cmpi slt, %select_n3A_903, %lt3A_909 : i32
    %ne3A_911 = arith.xori %lt3A_908, %lt3A_910 : i1
    %and3A_912 = arith.andi %ne3A_911, %ne3A_906 : i1
    %add3A_913 = arith.addi %rem3A_904, %select_n3A_903 : i32
    %select_n3A_914 = arith.select %and3A_912, %add3A_913, %rem3A_904 : i32
    %mul3A_915 = arith.constant 8 : i32
    %mul3A_916 = arith.muli %select_n3A_898, %mul3A_915 : i32
    %multiple_of3A_917 = tpu.assume_multiple %mul3A_916, 8 : i32
    %mul3A_918 = arith.constant 1024 : i32
    %mul3A_919 = arith.muli %select_n3A_914, %mul3A_918 : i32
    %multiple_of3A_920 = tpu.assume_multiple %mul3A_919, 1024 : i32
    %dma_wait3A_921 = tpu.memref_slice %arg5[%multiple_of3A_917] : memref<288xi32, #tpu.memory_space<vmem>> -> memref<8xi32, #tpu.memory_space<vmem>>
    %dma_wait3A_922 = arith.constant 0 : i32
    %dma_wait3A_923 = tpu.memref_slice %arg2[%dma_wait3A_922, %multiple_of3A_920] : memref<8192x8192xf32, #tpu.memory_space<hbm>> -> memref<8192x1024xf32, #tpu.memory_space<hbm>>
    tpu.wait_indirect_dma semaphore(%arg23 : memref<!tpu.dma_semaphore, #tpu.memory_space<semaphore_mem>>) src(%dma_wait3A_923 : memref<8192x1024xf32, #tpu.memory_space<hbm>>) dst(%arg14 : memref<8x1024xf32, #tpu.memory_space<vmem>>)
    %dma_start3A_924 = tpu.memref_slice %arg4[%multiple_of3A_917, %multiple_of3A_920] : memref<288x8192xf32, #tpu.memory_space<hbm>> -> memref<8x1024xf32, #tpu.memory_space<hbm>>
    %dma_start3A_925 = tpu.memref_slice %arg4[%multiple_of3A_917, %multiple_of3A_920] : memref<288x8192xf32, #tpu.memory_space<hbm>> -> memref<8x1024xf32, #tpu.memory_space<hbm>>
    tpu.enqueue_dma source(%arg14 : memref<8x1024xf32, #tpu.memory_space<vmem>>) target(%dma_start3A_925 : memref<8x1024xf32, #tpu.memory_space<hbm>>) target_semaphore(%arg32 : memref<!tpu.dma_semaphore, #tpu.memory_space<semaphore_mem>>)
    %add3A_926 = arith.constant 0 : i32
    %add3A_927 = arith.addi %add3A, %add3A_926 : i32
    %jit3A_928 = arith.constant 8 : i32
    %div3A_929 = arith.divsi %add3A_927, %jit3A_928 : i32
    %sign3A_930 = arith.constant 0 : i32
    %sign3A_931 = arith.cmpi sgt, %add3A_927, %sign3A_930 : i32
    %sign3A_932 = arith.extui %sign3A_931 : i1 to i32
    %sign3A_933 = arith.constant 0 : i32
    %sign3A_934 = arith.cmpi slt, %add3A_927, %sign3A_933 : i32
    %sign3A_935 = arith.extui %sign3A_934 : i1 to i32
    %sign3A_936 = arith.subi %sign3A_932, %sign3A_935 : i32
    %sign3A_937 = arith.constant 0 : i32
    %sign3A_938 = arith.cmpi sgt, %jit3A_928, %sign3A_937 : i32
    %sign3A_939 = arith.extui %sign3A_938 : i1 to i32
    %sign3A_940 = arith.constant 0 : i32
    %sign3A_941 = arith.cmpi slt, %jit3A_928, %sign3A_940 : i32
    %sign3A_942 = arith.extui %sign3A_941 : i1 to i32
    %sign3A_943 = arith.subi %sign3A_939, %sign3A_942 : i32
    %ne3A_944 = arith.cmpi ne, %sign3A_936, %sign3A_943 : i32
    %rem3A_945 = arith.remsi %add3A_927, %jit3A_928 : i32
    %ne3A_946 = arith.constant 0 : i32
    %ne3A_947 = arith.cmpi ne, %rem3A_945, %ne3A_946 : i32
    %and3A_948 = arith.andi %ne3A_944, %ne3A_947 : i1
    %sub3A_949 = arith.constant 1 : i32
    %sub3A_950 = arith.subi %div3A_929, %sub3A_949 : i32
    %select_n3A_951 = arith.select %and3A_948, %sub3A_950, %div3A_929 : i32
    %jit3A_952 = arith.constant 8 : i32
    %eq3A_953 = arith.constant 0 : i32
    %eq3A_954 = arith.cmpi eq, %jit3A_952, %eq3A_953 : i32
    %jit3A_955 = arith.constant 1 : i32
    %select_n3A_956 = arith.select %eq3A_954, %jit3A_955, %jit3A_952 : i32
    %rem3A_957 = arith.remsi %add3A_927, %select_n3A_956 : i32
    %ne3A_958 = arith.constant 0 : i32
    %ne3A_959 = arith.cmpi ne, %rem3A_957, %ne3A_958 : i32
    %lt3A_960 = arith.constant 0 : i32
    %lt3A_961 = arith.cmpi slt, %rem3A_957, %lt3A_960 : i32
    %lt3A_962 = arith.constant 0 : i32
    %lt3A_963 = arith.cmpi slt, %select_n3A_956, %lt3A_962 : i32
    %ne3A_964 = arith.xori %lt3A_961, %lt3A_963 : i1
    %and3A_965 = arith.andi %ne3A_964, %ne3A_959 : i1
    %add3A_966 = arith.addi %rem3A_957, %select_n3A_956 : i32
    %select_n3A_967 = arith.select %and3A_965, %add3A_966, %rem3A_957 : i32
    %mul3A_968 = arith.constant 8 : i32
    %mul3A_969 = arith.muli %select_n3A_951, %mul3A_968 : i32
    %multiple_of3A_970 = tpu.assume_multiple %mul3A_969, 8 : i32
    %mul3A_971 = arith.constant 1024 : i32
    %mul3A_972 = arith.muli %select_n3A_967, %mul3A_971 : i32
    %multiple_of3A_973 = tpu.assume_multiple %mul3A_972, 1024 : i32
    %dma_wait3A_974 = tpu.memref_slice %arg4[%multiple_of3A_970, %multiple_of3A_973] : memref<288x8192xf32, #tpu.memory_space<hbm>> -> memref<8x1024xf32, #tpu.memory_space<hbm>>
    %dma_wait3A_975 = tpu.memref_slice %arg4[%multiple_of3A_970, %multiple_of3A_973] : memref<288x8192xf32, #tpu.memory_space<hbm>> -> memref<8x1024xf32, #tpu.memory_space<hbm>>
    tpu.wait_dma2 semaphore(%arg24 : memref<!tpu.dma_semaphore, #tpu.memory_space<semaphore_mem>>) src(%arg6 : memref<8x1024xf32, #tpu.memory_space<vmem>>) dst(%dma_wait3A_975 : memref<8x1024xf32, #tpu.memory_space<hbm>>)
    %add3A_976 = arith.constant 32 : i32
    %add3A_977 = arith.addi %add3A, %add3A_976 : i32
    %jit3A_978 = arith.constant 8 : i32
    %div3A_979 = arith.divsi %add3A_977, %jit3A_978 : i32
    %sign3A_980 = arith.constant 0 : i32
    %sign3A_981 = arith.cmpi sgt, %add3A_977, %sign3A_980 : i32
    %sign3A_982 = arith.extui %sign3A_981 : i1 to i32
    %sign3A_983 = arith.constant 0 : i32
    %sign3A_984 = arith.cmpi slt, %add3A_977, %sign3A_983 : i32
    %sign3A_985 = arith.extui %sign3A_984 : i1 to i32
    %sign3A_986 = arith.subi %sign3A_982, %sign3A_985 : i32
    %sign3A_987 = arith.constant 0 : i32
    %sign3A_988 = arith.cmpi sgt, %jit3A_978, %sign3A_987 : i32
    %sign3A_989 = arith.extui %sign3A_988 : i1 to i32
    %sign3A_990 = arith.constant 0 : i32
    %sign3A_991 = arith.cmpi slt, %jit3A_978, %sign3A_990 : i32
    %sign3A_992 = arith.extui %sign3A_991 : i1 to i32
    %sign3A_993 = arith.subi %sign3A_989, %sign3A_992 : i32
    %ne3A_994 = arith.cmpi ne, %sign3A_986, %sign3A_993 : i32
    %rem3A_995 = arith.remsi %add3A_977, %jit3A_978 : i32
    %ne3A_996 = arith.constant 0 : i32
    %ne3A_997 = arith.cmpi ne, %rem3A_995, %ne3A_996 : i32
    %and3A_998 = arith.andi %ne3A_994, %ne3A_997 : i1
    %sub3A_999 = arith.constant 1 : i32
    %sub3A_1000 = arith.subi %div3A_979, %sub3A_999 : i32
    %select_n3A_1001 = arith.select %and3A_998, %sub3A_1000, %div3A_979 : i32
    %jit3A_1002 = arith.constant 8 : i32
    %eq3A_1003 = arith.constant 0 : i32
    %eq3A_1004 = arith.cmpi eq, %jit3A_1002, %eq3A_1003 : i32
    %jit3A_1005 = arith.constant 1 : i32
    %select_n3A_1006 = arith.select %eq3A_1004, %jit3A_1005, %jit3A_1002 : i32
    %rem3A_1007 = arith.remsi %add3A_977, %select_n3A_1006 : i32
    %ne3A_1008 = arith.constant 0 : i32
    %ne3A_1009 = arith.cmpi ne, %rem3A_1007, %ne3A_1008 : i32
    %lt3A_1010 = arith.constant 0 : i32
    %lt3A_1011 = arith.cmpi slt, %rem3A_1007, %lt3A_1010 : i32
    %lt3A_1012 = arith.constant 0 : i32
    %lt3A_1013 = arith.cmpi slt, %select_n3A_1006, %lt3A_1012 : i32
    %ne3A_1014 = arith.xori %lt3A_1011, %lt3A_1013 : i1
    %and3A_1015 = arith.andi %ne3A_1014, %ne3A_1009 : i1
    %add3A_1016 = arith.addi %rem3A_1007, %select_n3A_1006 : i32
    %select_n3A_1017 = arith.select %and3A_1015, %add3A_1016, %rem3A_1007 : i32
    %mul3A_1018 = arith.constant 8 : i32
    %mul3A_1019 = arith.muli %select_n3A_1001, %mul3A_1018 : i32
    %multiple_of3A_1020 = tpu.assume_multiple %mul3A_1019, 8 : i32
    %mul3A_1021 = arith.constant 1024 : i32
    %mul3A_1022 = arith.muli %select_n3A_1017, %mul3A_1021 : i32
    %multiple_of3A_1023 = tpu.assume_multiple %mul3A_1022, 1024 : i32
    %dma_wait3A_1024 = tpu.memref_slice %arg4[%multiple_of3A_1020, %multiple_of3A_1023] : memref<288x8192xf32, #tpu.memory_space<hbm>> -> memref<8x1024xf32, #tpu.memory_space<hbm>>
    %dma_wait3A_1025 = tpu.memref_slice %arg4[%multiple_of3A_1020, %multiple_of3A_1023] : memref<288x8192xf32, #tpu.memory_space<hbm>> -> memref<8x1024xf32, #tpu.memory_space<hbm>>
    tpu.wait_dma2 semaphore(%arg25 : memref<!tpu.dma_semaphore, #tpu.memory_space<semaphore_mem>>) src(%arg7 : memref<8x1024xf32, #tpu.memory_space<vmem>>) dst(%dma_wait3A_1025 : memref<8x1024xf32, #tpu.memory_space<hbm>>)
    %add3A_1026 = arith.constant 64 : i32
    %add3A_1027 = arith.addi %add3A, %add3A_1026 : i32
    %jit3A_1028 = arith.constant 8 : i32
    %div3A_1029 = arith.divsi %add3A_1027, %jit3A_1028 : i32
    %sign3A_1030 = arith.constant 0 : i32
    %sign3A_1031 = arith.cmpi sgt, %add3A_1027, %sign3A_1030 : i32
    %sign3A_1032 = arith.extui %sign3A_1031 : i1 to i32
    %sign3A_1033 = arith.constant 0 : i32
    %sign3A_1034 = arith.cmpi slt, %add3A_1027, %sign3A_1033 : i32
    %sign3A_1035 = arith.extui %sign3A_1034 : i1 to i32
    %sign3A_1036 = arith.subi %sign3A_1032, %sign3A_1035 : i32
    %sign3A_1037 = arith.constant 0 : i32
    %sign3A_1038 = arith.cmpi sgt, %jit3A_1028, %sign3A_1037 : i32
    %sign3A_1039 = arith.extui %sign3A_1038 : i1 to i32
    %sign3A_1040 = arith.constant 0 : i32
    %sign3A_1041 = arith.cmpi slt, %jit3A_1028, %sign3A_1040 : i32
    %sign3A_1042 = arith.extui %sign3A_1041 : i1 to i32
    %sign3A_1043 = arith.subi %sign3A_1039, %sign3A_1042 : i32
    %ne3A_1044 = arith.cmpi ne, %sign3A_1036, %sign3A_1043 : i32
    %rem3A_1045 = arith.remsi %add3A_1027, %jit3A_1028 : i32
    %ne3A_1046 = arith.constant 0 : i32
    %ne3A_1047 = arith.cmpi ne, %rem3A_1045, %ne3A_1046 : i32
    %and3A_1048 = arith.andi %ne3A_1044, %ne3A_1047 : i1
    %sub3A_1049 = arith.constant 1 : i32
    %sub3A_1050 = arith.subi %div3A_1029, %sub3A_1049 : i32
    %select_n3A_1051 = arith.select %and3A_1048, %sub3A_1050, %div3A_1029 : i32
    %jit3A_1052 = arith.constant 8 : i32
    %eq3A_1053 = arith.constant 0 : i32
    %eq3A_1054 = arith.cmpi eq, %jit3A_1052, %eq3A_1053 : i32
    %jit3A_1055 = arith.constant 1 : i32
    %select_n3A_1056 = arith.select %eq3A_1054, %jit3A_1055, %jit3A_1052 : i32
    %rem3A_1057 = arith.remsi %add3A_1027, %select_n3A_1056 : i32
    %ne3A_1058 = arith.constant 0 : i32
    %ne3A_1059 = arith.cmpi ne, %rem3A_1057, %ne3A_1058 : i32
    %lt3A_1060 = arith.constant 0 : i32
    %lt3A_1061 = arith.cmpi slt, %rem3A_1057, %lt3A_1060 : i32
    %lt3A_1062 = arith.constant 0 : i32
    %lt3A_1063 = arith.cmpi slt, %select_n3A_1056, %lt3A_1062 : i32
    %ne3A_1064 = arith.xori %lt3A_1061, %lt3A_1063 : i1
    %and3A_1065 = arith.andi %ne3A_1064, %ne3A_1059 : i1
    %add3A_1066 = arith.addi %rem3A_1057, %select_n3A_1056 : i32
    %select_n3A_1067 = arith.select %and3A_1065, %add3A_1066, %rem3A_1057 : i32
    %mul3A_1068 = arith.constant 8 : i32
    %mul3A_1069 = arith.muli %select_n3A_1051, %mul3A_1068 : i32
    %multiple_of3A_1070 = tpu.assume_multiple %mul3A_1069, 8 : i32
    %mul3A_1071 = arith.constant 1024 : i32
    %mul3A_1072 = arith.muli %select_n3A_1067, %mul3A_1071 : i32
    %multiple_of3A_1073 = tpu.assume_multiple %mul3A_1072, 1024 : i32
    %dma_wait3A_1074 = tpu.memref_slice %arg4[%multiple_of3A_1070, %multiple_of3A_1073] : memref<288x8192xf32, #tpu.memory_space<hbm>> -> memref<8x1024xf32, #tpu.memory_space<hbm>>
    %dma_wait3A_1075 = tpu.memref_slice %arg4[%multiple_of3A_1070, %multiple_of3A_1073] : memref<288x8192xf32, #tpu.memory_space<hbm>> -> memref<8x1024xf32, #tpu.memory_space<hbm>>
    tpu.wait_dma2 semaphore(%arg26 : memref<!tpu.dma_semaphore, #tpu.memory_space<semaphore_mem>>) src(%arg8 : memref<8x1024xf32, #tpu.memory_space<vmem>>) dst(%dma_wait3A_1075 : memref<8x1024xf32, #tpu.memory_space<hbm>>)
    %add3A_1076 = arith.constant 96 : i32
    %add3A_1077 = arith.addi %add3A, %add3A_1076 : i32
    %jit3A_1078 = arith.constant 8 : i32
    %div3A_1079 = arith.divsi %add3A_1077, %jit3A_1078 : i32
    %sign3A_1080 = arith.constant 0 : i32
    %sign3A_1081 = arith.cmpi sgt, %add3A_1077, %sign3A_1080 : i32
    %sign3A_1082 = arith.extui %sign3A_1081 : i1 to i32
    %sign3A_1083 = arith.constant 0 : i32
    %sign3A_1084 = arith.cmpi slt, %add3A_1077, %sign3A_1083 : i32
    %sign3A_1085 = arith.extui %sign3A_1084 : i1 to i32
    %sign3A_1086 = arith.subi %sign3A_1082, %sign3A_1085 : i32
    %sign3A_1087 = arith.constant 0 : i32
    %sign3A_1088 = arith.cmpi sgt, %jit3A_1078, %sign3A_1087 : i32
    %sign3A_1089 = arith.extui %sign3A_1088 : i1 to i32
    %sign3A_1090 = arith.constant 0 : i32
    %sign3A_1091 = arith.cmpi slt, %jit3A_1078, %sign3A_1090 : i32
    %sign3A_1092 = arith.extui %sign3A_1091 : i1 to i32
    %sign3A_1093 = arith.subi %sign3A_1089, %sign3A_1092 : i32
    %ne3A_1094 = arith.cmpi ne, %sign3A_1086, %sign3A_1093 : i32
    %rem3A_1095 = arith.remsi %add3A_1077, %jit3A_1078 : i32
    %ne3A_1096 = arith.constant 0 : i32
    %ne3A_1097 = arith.cmpi ne, %rem3A_1095, %ne3A_1096 : i32
    %and3A_1098 = arith.andi %ne3A_1094, %ne3A_1097 : i1
    %sub3A_1099 = arith.constant 1 : i32
    %sub3A_1100 = arith.subi %div3A_1079, %sub3A_1099 : i32
    %select_n3A_1101 = arith.select %and3A_1098, %sub3A_1100, %div3A_1079 : i32
    %jit3A_1102 = arith.constant 8 : i32
    %eq3A_1103 = arith.constant 0 : i32
    %eq3A_1104 = arith.cmpi eq, %jit3A_1102, %eq3A_1103 : i32
    %jit3A_1105 = arith.constant 1 : i32
    %select_n3A_1106 = arith.select %eq3A_1104, %jit3A_1105, %jit3A_1102 : i32
    %rem3A_1107 = arith.remsi %add3A_1077, %select_n3A_1106 : i32
    %ne3A_1108 = arith.constant 0 : i32
    %ne3A_1109 = arith.cmpi ne, %rem3A_1107, %ne3A_1108 : i32
    %lt3A_1110 = arith.constant 0 : i32
    %lt3A_1111 = arith.cmpi slt, %rem3A_1107, %lt3A_1110 : i32
    %lt3A_1112 = arith.constant 0 : i32
    %lt3A_1113 = arith.cmpi slt, %select_n3A_1106, %lt3A_1112 : i32
    %ne3A_1114 = arith.xori %lt3A_1111, %lt3A_1113 : i1
    %and3A_1115 = arith.andi %ne3A_1114, %ne3A_1109 : i1
    %add3A_1116 = arith.addi %rem3A_1107, %select_n3A_1106 : i32
    %select_n3A_1117 = arith.select %and3A_1115, %add3A_1116, %rem3A_1107 : i32
    %mul3A_1118 = arith.constant 8 : i32
    %mul3A_1119 = arith.muli %select_n3A_1101, %mul3A_1118 : i32
    %multiple_of3A_1120 = tpu.assume_multiple %mul3A_1119, 8 : i32
    %mul3A_1121 = arith.constant 1024 : i32
    %mul3A_1122 = arith.muli %select_n3A_1117, %mul3A_1121 : i32
    %multiple_of3A_1123 = tpu.assume_multiple %mul3A_1122, 1024 : i32
    %dma_wait3A_1124 = tpu.memref_slice %arg4[%multiple_of3A_1120, %multiple_of3A_1123] : memref<288x8192xf32, #tpu.memory_space<hbm>> -> memref<8x1024xf32, #tpu.memory_space<hbm>>
    %dma_wait3A_1125 = tpu.memref_slice %arg4[%multiple_of3A_1120, %multiple_of3A_1123] : memref<288x8192xf32, #tpu.memory_space<hbm>> -> memref<8x1024xf32, #tpu.memory_space<hbm>>
    tpu.wait_dma2 semaphore(%arg27 : memref<!tpu.dma_semaphore, #tpu.memory_space<semaphore_mem>>) src(%arg9 : memref<8x1024xf32, #tpu.memory_space<vmem>>) dst(%dma_wait3A_1125 : memref<8x1024xf32, #tpu.memory_space<hbm>>)
    %add3A_1126 = arith.constant 128 : i32
    %add3A_1127 = arith.addi %add3A, %add3A_1126 : i32
    %jit3A_1128 = arith.constant 8 : i32
    %div3A_1129 = arith.divsi %add3A_1127, %jit3A_1128 : i32
    %sign3A_1130 = arith.constant 0 : i32
    %sign3A_1131 = arith.cmpi sgt, %add3A_1127, %sign3A_1130 : i32
    %sign3A_1132 = arith.extui %sign3A_1131 : i1 to i32
    %sign3A_1133 = arith.constant 0 : i32
    %sign3A_1134 = arith.cmpi slt, %add3A_1127, %sign3A_1133 : i32
    %sign3A_1135 = arith.extui %sign3A_1134 : i1 to i32
    %sign3A_1136 = arith.subi %sign3A_1132, %sign3A_1135 : i32
    %sign3A_1137 = arith.constant 0 : i32
    %sign3A_1138 = arith.cmpi sgt, %jit3A_1128, %sign3A_1137 : i32
    %sign3A_1139 = arith.extui %sign3A_1138 : i1 to i32
    %sign3A_1140 = arith.constant 0 : i32
    %sign3A_1141 = arith.cmpi slt, %jit3A_1128, %sign3A_1140 : i32
    %sign3A_1142 = arith.extui %sign3A_1141 : i1 to i32
    %sign3A_1143 = arith.subi %sign3A_1139, %sign3A_1142 : i32
    %ne3A_1144 = arith.cmpi ne, %sign3A_1136, %sign3A_1143 : i32
    %rem3A_1145 = arith.remsi %add3A_1127, %jit3A_1128 : i32
    %ne3A_1146 = arith.constant 0 : i32
    %ne3A_1147 = arith.cmpi ne, %rem3A_1145, %ne3A_1146 : i32
    %and3A_1148 = arith.andi %ne3A_1144, %ne3A_1147 : i1
    %sub3A_1149 = arith.constant 1 : i32
    %sub3A_1150 = arith.subi %div3A_1129, %sub3A_1149 : i32
    %select_n3A_1151 = arith.select %and3A_1148, %sub3A_1150, %div3A_1129 : i32
    %jit3A_1152 = arith.constant 8 : i32
    %eq3A_1153 = arith.constant 0 : i32
    %eq3A_1154 = arith.cmpi eq, %jit3A_1152, %eq3A_1153 : i32
    %jit3A_1155 = arith.constant 1 : i32
    %select_n3A_1156 = arith.select %eq3A_1154, %jit3A_1155, %jit3A_1152 : i32
    %rem3A_1157 = arith.remsi %add3A_1127, %select_n3A_1156 : i32
    %ne3A_1158 = arith.constant 0 : i32
    %ne3A_1159 = arith.cmpi ne, %rem3A_1157, %ne3A_1158 : i32
    %lt3A_1160 = arith.constant 0 : i32
    %lt3A_1161 = arith.cmpi slt, %rem3A_1157, %lt3A_1160 : i32
    %lt3A_1162 = arith.constant 0 : i32
    %lt3A_1163 = arith.cmpi slt, %select_n3A_1156, %lt3A_1162 : i32
    %ne3A_1164 = arith.xori %lt3A_1161, %lt3A_1163 : i1
    %and3A_1165 = arith.andi %ne3A_1164, %ne3A_1159 : i1
    %add3A_1166 = arith.addi %rem3A_1157, %select_n3A_1156 : i32
    %select_n3A_1167 = arith.select %and3A_1165, %add3A_1166, %rem3A_1157 : i32
    %mul3A_1168 = arith.constant 8 : i32
    %mul3A_1169 = arith.muli %select_n3A_1151, %mul3A_1168 : i32
    %multiple_of3A_1170 = tpu.assume_multiple %mul3A_1169, 8 : i32
    %mul3A_1171 = arith.constant 1024 : i32
    %mul3A_1172 = arith.muli %select_n3A_1167, %mul3A_1171 : i32
    %multiple_of3A_1173 = tpu.assume_multiple %mul3A_1172, 1024 : i32
    %dma_wait3A_1174 = tpu.memref_slice %arg4[%multiple_of3A_1170, %multiple_of3A_1173] : memref<288x8192xf32, #tpu.memory_space<hbm>> -> memref<8x1024xf32, #tpu.memory_space<hbm>>
    %dma_wait3A_1175 = tpu.memref_slice %arg4[%multiple_of3A_1170, %multiple_of3A_1173] : memref<288x8192xf32, #tpu.memory_space<hbm>> -> memref<8x1024xf32, #tpu.memory_space<hbm>>
    tpu.wait_dma2 semaphore(%arg28 : memref<!tpu.dma_semaphore, #tpu.memory_space<semaphore_mem>>) src(%arg10 : memref<8x1024xf32, #tpu.memory_space<vmem>>) dst(%dma_wait3A_1175 : memref<8x1024xf32, #tpu.memory_space<hbm>>)
    %add3A_1176 = arith.constant 160 : i32
    %add3A_1177 = arith.addi %add3A, %add3A_1176 : i32
    %jit3A_1178 = arith.constant 8 : i32
    %div3A_1179 = arith.divsi %add3A_1177, %jit3A_1178 : i32
    %sign3A_1180 = arith.constant 0 : i32
    %sign3A_1181 = arith.cmpi sgt, %add3A_1177, %sign3A_1180 : i32
    %sign3A_1182 = arith.extui %sign3A_1181 : i1 to i32
    %sign3A_1183 = arith.constant 0 : i32
    %sign3A_1184 = arith.cmpi slt, %add3A_1177, %sign3A_1183 : i32
    %sign3A_1185 = arith.extui %sign3A_1184 : i1 to i32
    %sign3A_1186 = arith.subi %sign3A_1182, %sign3A_1185 : i32
    %sign3A_1187 = arith.constant 0 : i32
    %sign3A_1188 = arith.cmpi sgt, %jit3A_1178, %sign3A_1187 : i32
    %sign3A_1189 = arith.extui %sign3A_1188 : i1 to i32
    %sign3A_1190 = arith.constant 0 : i32
    %sign3A_1191 = arith.cmpi slt, %jit3A_1178, %sign3A_1190 : i32
    %sign3A_1192 = arith.extui %sign3A_1191 : i1 to i32
    %sign3A_1193 = arith.subi %sign3A_1189, %sign3A_1192 : i32
    %ne3A_1194 = arith.cmpi ne, %sign3A_1186, %sign3A_1193 : i32
    %rem3A_1195 = arith.remsi %add3A_1177, %jit3A_1178 : i32
    %ne3A_1196 = arith.constant 0 : i32
    %ne3A_1197 = arith.cmpi ne, %rem3A_1195, %ne3A_1196 : i32
    %and3A_1198 = arith.andi %ne3A_1194, %ne3A_1197 : i1
    %sub3A_1199 = arith.constant 1 : i32
    %sub3A_1200 = arith.subi %div3A_1179, %sub3A_1199 : i32
    %select_n3A_1201 = arith.select %and3A_1198, %sub3A_1200, %div3A_1179 : i32
    %jit3A_1202 = arith.constant 8 : i32
    %eq3A_1203 = arith.constant 0 : i32
    %eq3A_1204 = arith.cmpi eq, %jit3A_1202, %eq3A_1203 : i32
    %jit3A_1205 = arith.constant 1 : i32
    %select_n3A_1206 = arith.select %eq3A_1204, %jit3A_1205, %jit3A_1202 : i32
    %rem3A_1207 = arith.remsi %add3A_1177, %select_n3A_1206 : i32
    %ne3A_1208 = arith.constant 0 : i32
    %ne3A_1209 = arith.cmpi ne, %rem3A_1207, %ne3A_1208 : i32
    %lt3A_1210 = arith.constant 0 : i32
    %lt3A_1211 = arith.cmpi slt, %rem3A_1207, %lt3A_1210 : i32
    %lt3A_1212 = arith.constant 0 : i32
    %lt3A_1213 = arith.cmpi slt, %select_n3A_1206, %lt3A_1212 : i32
    %ne3A_1214 = arith.xori %lt3A_1211, %lt3A_1213 : i1
    %and3A_1215 = arith.andi %ne3A_1214, %ne3A_1209 : i1
    %add3A_1216 = arith.addi %rem3A_1207, %select_n3A_1206 : i32
    %select_n3A_1217 = arith.select %and3A_1215, %add3A_1216, %rem3A_1207 : i32
    %mul3A_1218 = arith.constant 8 : i32
    %mul3A_1219 = arith.muli %select_n3A_1201, %mul3A_1218 : i32
    %multiple_of3A_1220 = tpu.assume_multiple %mul3A_1219, 8 : i32
    %mul3A_1221 = arith.constant 1024 : i32
    %mul3A_1222 = arith.muli %select_n3A_1217, %mul3A_1221 : i32
    %multiple_of3A_1223 = tpu.assume_multiple %mul3A_1222, 1024 : i32
    %dma_wait3A_1224 = tpu.memref_slice %arg4[%multiple_of3A_1220, %multiple_of3A_1223] : memref<288x8192xf32, #tpu.memory_space<hbm>> -> memref<8x1024xf32, #tpu.memory_space<hbm>>
    %dma_wait3A_1225 = tpu.memref_slice %arg4[%multiple_of3A_1220, %multiple_of3A_1223] : memref<288x8192xf32, #tpu.memory_space<hbm>> -> memref<8x1024xf32, #tpu.memory_space<hbm>>
    tpu.wait_dma2 semaphore(%arg29 : memref<!tpu.dma_semaphore, #tpu.memory_space<semaphore_mem>>) src(%arg11 : memref<8x1024xf32, #tpu.memory_space<vmem>>) dst(%dma_wait3A_1225 : memref<8x1024xf32, #tpu.memory_space<hbm>>)
    %add3A_1226 = arith.constant 192 : i32
    %add3A_1227 = arith.addi %add3A, %add3A_1226 : i32
    %jit3A_1228 = arith.constant 8 : i32
    %div3A_1229 = arith.divsi %add3A_1227, %jit3A_1228 : i32
    %sign3A_1230 = arith.constant 0 : i32
    %sign3A_1231 = arith.cmpi sgt, %add3A_1227, %sign3A_1230 : i32
    %sign3A_1232 = arith.extui %sign3A_1231 : i1 to i32
    %sign3A_1233 = arith.constant 0 : i32
    %sign3A_1234 = arith.cmpi slt, %add3A_1227, %sign3A_1233 : i32
    %sign3A_1235 = arith.extui %sign3A_1234 : i1 to i32
    %sign3A_1236 = arith.subi %sign3A_1232, %sign3A_1235 : i32
    %sign3A_1237 = arith.constant 0 : i32
    %sign3A_1238 = arith.cmpi sgt, %jit3A_1228, %sign3A_1237 : i32
    %sign3A_1239 = arith.extui %sign3A_1238 : i1 to i32
    %sign3A_1240 = arith.constant 0 : i32
    %sign3A_1241 = arith.cmpi slt, %jit3A_1228, %sign3A_1240 : i32
    %sign3A_1242 = arith.extui %sign3A_1241 : i1 to i32
    %sign3A_1243 = arith.subi %sign3A_1239, %sign3A_1242 : i32
    %ne3A_1244 = arith.cmpi ne, %sign3A_1236, %sign3A_1243 : i32
    %rem3A_1245 = arith.remsi %add3A_1227, %jit3A_1228 : i32
    %ne3A_1246 = arith.constant 0 : i32
    %ne3A_1247 = arith.cmpi ne, %rem3A_1245, %ne3A_1246 : i32
    %and3A_1248 = arith.andi %ne3A_1244, %ne3A_1247 : i1
    %sub3A_1249 = arith.constant 1 : i32
    %sub3A_1250 = arith.subi %div3A_1229, %sub3A_1249 : i32
    %select_n3A_1251 = arith.select %and3A_1248, %sub3A_1250, %div3A_1229 : i32
    %jit3A_1252 = arith.constant 8 : i32
    %eq3A_1253 = arith.constant 0 : i32
    %eq3A_1254 = arith.cmpi eq, %jit3A_1252, %eq3A_1253 : i32
    %jit3A_1255 = arith.constant 1 : i32
    %select_n3A_1256 = arith.select %eq3A_1254, %jit3A_1255, %jit3A_1252 : i32
    %rem3A_1257 = arith.remsi %add3A_1227, %select_n3A_1256 : i32
    %ne3A_1258 = arith.constant 0 : i32
    %ne3A_1259 = arith.cmpi ne, %rem3A_1257, %ne3A_1258 : i32
    %lt3A_1260 = arith.constant 0 : i32
    %lt3A_1261 = arith.cmpi slt, %rem3A_1257, %lt3A_1260 : i32
    %lt3A_1262 = arith.constant 0 : i32
    %lt3A_1263 = arith.cmpi slt, %select_n3A_1256, %lt3A_1262 : i32
    %ne3A_1264 = arith.xori %lt3A_1261, %lt3A_1263 : i1
    %and3A_1265 = arith.andi %ne3A_1264, %ne3A_1259 : i1
    %add3A_1266 = arith.addi %rem3A_1257, %select_n3A_1256 : i32
    %select_n3A_1267 = arith.select %and3A_1265, %add3A_1266, %rem3A_1257 : i32
    %mul3A_1268 = arith.constant 8 : i32
    %mul3A_1269 = arith.muli %select_n3A_1251, %mul3A_1268 : i32
    %multiple_of3A_1270 = tpu.assume_multiple %mul3A_1269, 8 : i32
    %mul3A_1271 = arith.constant 1024 : i32
    %mul3A_1272 = arith.muli %select_n3A_1267, %mul3A_1271 : i32
    %multiple_of3A_1273 = tpu.assume_multiple %mul3A_1272, 1024 : i32
    %dma_wait3A_1274 = tpu.memref_slice %arg4[%multiple_of3A_1270, %multiple_of3A_1273] : memref<288x8192xf32, #tpu.memory_space<hbm>> -> memref<8x1024xf32, #tpu.memory_space<hbm>>
    %dma_wait3A_1275 = tpu.memref_slice %arg4[%multiple_of3A_1270, %multiple_of3A_1273] : memref<288x8192xf32, #tpu.memory_space<hbm>> -> memref<8x1024xf32, #tpu.memory_space<hbm>>
    tpu.wait_dma2 semaphore(%arg30 : memref<!tpu.dma_semaphore, #tpu.memory_space<semaphore_mem>>) src(%arg12 : memref<8x1024xf32, #tpu.memory_space<vmem>>) dst(%dma_wait3A_1275 : memref<8x1024xf32, #tpu.memory_space<hbm>>)
    %add3A_1276 = arith.constant 224 : i32
    %add3A_1277 = arith.addi %add3A, %add3A_1276 : i32
    %jit3A_1278 = arith.constant 8 : i32
    %div3A_1279 = arith.divsi %add3A_1277, %jit3A_1278 : i32
    %sign3A_1280 = arith.constant 0 : i32
    %sign3A_1281 = arith.cmpi sgt, %add3A_1277, %sign3A_1280 : i32
    %sign3A_1282 = arith.extui %sign3A_1281 : i1 to i32
    %sign3A_1283 = arith.constant 0 : i32
    %sign3A_1284 = arith.cmpi slt, %add3A_1277, %sign3A_1283 : i32
    %sign3A_1285 = arith.extui %sign3A_1284 : i1 to i32
    %sign3A_1286 = arith.subi %sign3A_1282, %sign3A_1285 : i32
    %sign3A_1287 = arith.constant 0 : i32
    %sign3A_1288 = arith.cmpi sgt, %jit3A_1278, %sign3A_1287 : i32
    %sign3A_1289 = arith.extui %sign3A_1288 : i1 to i32
    %sign3A_1290 = arith.constant 0 : i32
    %sign3A_1291 = arith.cmpi slt, %jit3A_1278, %sign3A_1290 : i32
    %sign3A_1292 = arith.extui %sign3A_1291 : i1 to i32
    %sign3A_1293 = arith.subi %sign3A_1289, %sign3A_1292 : i32
    %ne3A_1294 = arith.cmpi ne, %sign3A_1286, %sign3A_1293 : i32
    %rem3A_1295 = arith.remsi %add3A_1277, %jit3A_1278 : i32
    %ne3A_1296 = arith.constant 0 : i32
    %ne3A_1297 = arith.cmpi ne, %rem3A_1295, %ne3A_1296 : i32
    %and3A_1298 = arith.andi %ne3A_1294, %ne3A_1297 : i1
    %sub3A_1299 = arith.constant 1 : i32
    %sub3A_1300 = arith.subi %div3A_1279, %sub3A_1299 : i32
    %select_n3A_1301 = arith.select %and3A_1298, %sub3A_1300, %div3A_1279 : i32
    %jit3A_1302 = arith.constant 8 : i32
    %eq3A_1303 = arith.constant 0 : i32
    %eq3A_1304 = arith.cmpi eq, %jit3A_1302, %eq3A_1303 : i32
    %jit3A_1305 = arith.constant 1 : i32
    %select_n3A_1306 = arith.select %eq3A_1304, %jit3A_1305, %jit3A_1302 : i32
    %rem3A_1307 = arith.remsi %add3A_1277, %select_n3A_1306 : i32
    %ne3A_1308 = arith.constant 0 : i32
    %ne3A_1309 = arith.cmpi ne, %rem3A_1307, %ne3A_1308 : i32
    %lt3A_1310 = arith.constant 0 : i32
    %lt3A_1311 = arith.cmpi slt, %rem3A_1307, %lt3A_1310 : i32
    %lt3A_1312 = arith.constant 0 : i32
    %lt3A_1313 = arith.cmpi slt, %select_n3A_1306, %lt3A_1312 : i32
    %ne3A_1314 = arith.xori %lt3A_1311, %lt3A_1313 : i1
    %and3A_1315 = arith.andi %ne3A_1314, %ne3A_1309 : i1
    %add3A_1316 = arith.addi %rem3A_1307, %select_n3A_1306 : i32
    %select_n3A_1317 = arith.select %and3A_1315, %add3A_1316, %rem3A_1307 : i32
    %mul3A_1318 = arith.constant 8 : i32
    %mul3A_1319 = arith.muli %select_n3A_1301, %mul3A_1318 : i32
    %multiple_of3A_1320 = tpu.assume_multiple %mul3A_1319, 8 : i32
    %mul3A_1321 = arith.constant 1024 : i32
    %mul3A_1322 = arith.muli %select_n3A_1317, %mul3A_1321 : i32
    %multiple_of3A_1323 = tpu.assume_multiple %mul3A_1322, 1024 : i32
    %dma_wait3A_1324 = tpu.memref_slice %arg4[%multiple_of3A_1320, %multiple_of3A_1323] : memref<288x8192xf32, #tpu.memory_space<hbm>> -> memref<8x1024xf32, #tpu.memory_space<hbm>>
    %dma_wait3A_1325 = tpu.memref_slice %arg4[%multiple_of3A_1320, %multiple_of3A_1323] : memref<288x8192xf32, #tpu.memory_space<hbm>> -> memref<8x1024xf32, #tpu.memory_space<hbm>>
    tpu.wait_dma2 semaphore(%arg31 : memref<!tpu.dma_semaphore, #tpu.memory_space<semaphore_mem>>) src(%arg13 : memref<8x1024xf32, #tpu.memory_space<vmem>>) dst(%dma_wait3A_1325 : memref<8x1024xf32, #tpu.memory_space<hbm>>)
    %add3A_1326 = arith.constant 256 : i32
    %add3A_1327 = arith.addi %add3A, %add3A_1326 : i32
    %jit3A_1328 = arith.constant 8 : i32
    %div3A_1329 = arith.divsi %add3A_1327, %jit3A_1328 : i32
    %sign3A_1330 = arith.constant 0 : i32
    %sign3A_1331 = arith.cmpi sgt, %add3A_1327, %sign3A_1330 : i32
    %sign3A_1332 = arith.extui %sign3A_1331 : i1 to i32
    %sign3A_1333 = arith.constant 0 : i32
    %sign3A_1334 = arith.cmpi slt, %add3A_1327, %sign3A_1333 : i32
    %sign3A_1335 = arith.extui %sign3A_1334 : i1 to i32
    %sign3A_1336 = arith.subi %sign3A_1332, %sign3A_1335 : i32
    %sign3A_1337 = arith.constant 0 : i32
    %sign3A_1338 = arith.cmpi sgt, %jit3A_1328, %sign3A_1337 : i32
    %sign3A_1339 = arith.extui %sign3A_1338 : i1 to i32
    %sign3A_1340 = arith.constant 0 : i32
    %sign3A_1341 = arith.cmpi slt, %jit3A_1328, %sign3A_1340 : i32
    %sign3A_1342 = arith.extui %sign3A_1341 : i1 to i32
    %sign3A_1343 = arith.subi %sign3A_1339, %sign3A_1342 : i32
    %ne3A_1344 = arith.cmpi ne, %sign3A_1336, %sign3A_1343 : i32
    %rem3A_1345 = arith.remsi %add3A_1327, %jit3A_1328 : i32
    %ne3A_1346 = arith.constant 0 : i32
    %ne3A_1347 = arith.cmpi ne, %rem3A_1345, %ne3A_1346 : i32
    %and3A_1348 = arith.andi %ne3A_1344, %ne3A_1347 : i1
    %sub3A_1349 = arith.constant 1 : i32
    %sub3A_1350 = arith.subi %div3A_1329, %sub3A_1349 : i32
    %select_n3A_1351 = arith.select %and3A_1348, %sub3A_1350, %div3A_1329 : i32
    %jit3A_1352 = arith.constant 8 : i32
    %eq3A_1353 = arith.constant 0 : i32
    %eq3A_1354 = arith.cmpi eq, %jit3A_1352, %eq3A_1353 : i32
    %jit3A_1355 = arith.constant 1 : i32
    %select_n3A_1356 = arith.select %eq3A_1354, %jit3A_1355, %jit3A_1352 : i32
    %rem3A_1357 = arith.remsi %add3A_1327, %select_n3A_1356 : i32
    %ne3A_1358 = arith.constant 0 : i32
    %ne3A_1359 = arith.cmpi ne, %rem3A_1357, %ne3A_1358 : i32
    %lt3A_1360 = arith.constant 0 : i32
    %lt3A_1361 = arith.cmpi slt, %rem3A_1357, %lt3A_1360 : i32
    %lt3A_1362 = arith.constant 0 : i32
    %lt3A_1363 = arith.cmpi slt, %select_n3A_1356, %lt3A_1362 : i32
    %ne3A_1364 = arith.xori %lt3A_1361, %lt3A_1363 : i1
    %and3A_1365 = arith.andi %ne3A_1364, %ne3A_1359 : i1
    %add3A_1366 = arith.addi %rem3A_1357, %select_n3A_1356 : i32
    %select_n3A_1367 = arith.select %and3A_1365, %add3A_1366, %rem3A_1357 : i32
    %mul3A_1368 = arith.constant 8 : i32
    %mul3A_1369 = arith.muli %select_n3A_1351, %mul3A_1368 : i32
    %multiple_of3A_1370 = tpu.assume_multiple %mul3A_1369, 8 : i32
    %mul3A_1371 = arith.constant 1024 : i32
    %mul3A_1372 = arith.muli %select_n3A_1367, %mul3A_1371 : i32
    %multiple_of3A_1373 = tpu.assume_multiple %mul3A_1372, 1024 : i32
    %dma_wait3A_1374 = tpu.memref_slice %arg4[%multiple_of3A_1370, %multiple_of3A_1373] : memref<288x8192xf32, #tpu.memory_space<hbm>> -> memref<8x1024xf32, #tpu.memory_space<hbm>>
    %dma_wait3A_1375 = tpu.memref_slice %arg4[%multiple_of3A_1370, %multiple_of3A_1373] : memref<288x8192xf32, #tpu.memory_space<hbm>> -> memref<8x1024xf32, #tpu.memory_space<hbm>>
    tpu.wait_dma2 semaphore(%arg32 : memref<!tpu.dma_semaphore, #tpu.memory_space<semaphore_mem>>) src(%arg14 : memref<8x1024xf32, #tpu.memory_space<vmem>>) dst(%dma_wait3A_1375 : memref<8x1024xf32, #tpu.memory_space<hbm>>)
    return
  }
}

module attributes {stable_mosaic.version = 14 : i64} {
  func.func @_tc_loss_body(%arg0: i32, %arg1: memref<96x8192xf32, #tpu.memory_space<vmem>>, %arg2: memref<96x1xi32, #tpu.memory_space<vmem>>, %arg3: memref<1x1xf32, #tpu.memory_space<smem>>, %arg4: memref<1xf32, #tpu.memory_space<smem>>) attributes {dimension_semantics = [#tpu.dimension_semantics<arbitrary>], iteration_bounds = array<i64: 3>, scalar_prefetch = 0 : i64, scratch_operands = 1 : i64, tpu.core_type = #tpu.core_type<tc>, window_params = [{transform_indices = @transform_0, window_bounds = array<i64: 96, 8192>}, {transform_indices = @transform_1, window_bounds = array<i64: 96, 1>}, {transform_indices = @transform_2, window_bounds = array<i64: 1, 1>}]} {
    %get3A = arith.constant 0 : index
    %get3A_0 = arith.constant 0 : index
    %get3A_1 = vector.load %arg1[%get3A, %get3A_0] : memref<96x8192xf32, #tpu.memory_space<vmem>>, vector<96x8192xf32>
    %reduce_max3A = arith.constant dense<0xFF800000> : vector<96xf32>
    %reduce_max3A_2 = vector.multi_reduction <maximumf>, %get3A_1, %reduce_max3A [1] : vector<96x8192xf32> to vector<96xf32>
    %broadcast_in_dim3A = vector.shape_cast %reduce_max3A_2 : vector<96xf32> to vector<96x1xf32>
    %sub3A = vector.broadcast %broadcast_in_dim3A : vector<96x1xf32> to vector<96x8192xf32>
    %sub3A_3 = arith.subf %get3A_1, %sub3A : vector<96x8192xf32>
    %exp3A = math.exp %sub3A_3 : vector<96x8192xf32>
    %reduce_sum3A = arith.constant dense<0.000000e+00> : vector<96xf32>
    %reduce_sum3A_4 = vector.multi_reduction <add>, %exp3A, %reduce_sum3A [1] : vector<96x8192xf32> to vector<96xf32>
    %iota3A = tpu.iota {dimensions = array<i32: 1>} : vector<96x8192xi32>
    %get3A_5 = arith.constant 0 : index
    %get3A_6 = arith.constant 0 : index
    %get3A_7 = vector.load %arg2[%get3A_5, %get3A_6] : memref<96x1xi32, #tpu.memory_space<vmem>>, vector<96x1xi32>
    %eq3A = vector.broadcast %get3A_7 : vector<96x1xi32> to vector<96x8192xi32>
    %eq3A_8 = arith.cmpi eq, %iota3A, %eq3A : vector<96x8192xi32>
    %jit3A = arith.constant 0.000000e+00 : f32
    %broadcast_in_dim3A_9 = vector.broadcast %jit3A : f32 to vector<96x8192xf32>
    %select_n3A = arith.select %eq3A_8, %get3A_1, %broadcast_in_dim3A_9 : vector<96x8192xi1>, vector<96x8192xf32>
    %reduce_sum3A_10 = arith.constant dense<0.000000e+00> : vector<96xf32>
    %reduce_sum3A_11 = vector.multi_reduction <add>, %select_n3A, %reduce_sum3A_10 [1] : vector<96x8192xf32> to vector<96xf32>
    %sub3A_12 = arith.subf %reduce_sum3A_11, %reduce_max3A_2 : vector<96xf32>
    %log3A = math.log %reduce_sum3A_4 : vector<96xf32>
    %sub3A_13 = arith.subf %sub3A_12, %log3A : vector<96xf32>
    %reduce_sum3A_14 = vector.shape_cast %sub3A_13 : vector<96xf32> to vector<1x96xf32>
    %reduce_sum3A_15 = arith.constant dense<0.000000e+00> : vector<1xf32>
    %reduce_sum3A_16 = vector.multi_reduction <add>, %reduce_sum3A_14, %reduce_sum3A_15 [1] : vector<1x96xf32> to vector<1xf32>
    %reduce_sum3A_17 = vector.shape_cast %reduce_sum3A_16 : vector<1xf32> to vector<1x1xf32>
    %reduce_sum3A_18 = vector.extract %reduce_sum3A_17[0, 0] : f32 from vector<1x1xf32>
    %eq3A_19 = arith.constant 0 : i32
    %eq3A_20 = arith.cmpi eq, %arg0, %eq3A_19 : i32
    %convert_element_type3A = arith.extui %eq3A_20 : i1 to i32
    %cond3A = arith.constant 0 : i32
    %cond3A_21 = arith.cmpi ne, %convert_element_type3A, %cond3A : i32
    scf.if %cond3A_21 {
      %swap3A_30 = arith.constant 0.000000e+00 : f32
      %swap3A_31 = arith.constant 0 : index
      %swap3A_32 = memref.load %arg4[%swap3A_31] : memref<1xf32, #tpu.memory_space<smem>>
      memref.store %swap3A_30, %arg4[%swap3A_31] : memref<1xf32, #tpu.memory_space<smem>>
    } else {
    }
    %get3A_22 = arith.constant 0 : index
    %get3A_23 = memref.load %arg4[%get3A_22] : memref<1xf32, #tpu.memory_space<smem>>
    %add3A = arith.addf %get3A_23, %reduce_sum3A_18 : f32
    %swap3A = arith.constant 0 : index
    %swap3A_24 = memref.load %arg4[%swap3A] : memref<1xf32, #tpu.memory_space<smem>>
    memref.store %add3A, %arg4[%swap3A] : memref<1xf32, #tpu.memory_space<smem>>
    %eq3A_25 = arith.constant 2 : i32
    %eq3A_26 = arith.cmpi eq, %arg0, %eq3A_25 : i32
    %convert_element_type3A_27 = arith.extui %eq3A_26 : i1 to i32
    %cond3A_28 = arith.constant 0 : i32
    %cond3A_29 = arith.cmpi ne, %convert_element_type3A_27, %cond3A_28 : i32
    scf.if %cond3A_29 {
      %get3A_30 = arith.constant 0 : index
      %get3A_31 = memref.load %arg4[%get3A_30] : memref<1xf32, #tpu.memory_space<smem>>
      %neg3A = arith.constant 0.000000e+00 : f32
      %neg3A_32 = arith.subf %neg3A, %get3A_31 : f32
      %div3A = arith.constant 2.880000e+02 : f32
      %div3A_33 = arith.divf %neg3A_32, %div3A : f32
      %swap3A_34 = arith.constant 0 : index
      %swap3A_35 = arith.constant 0 : index
      %swap3A_36 = memref.load %arg3[%swap3A_34, %swap3A_35] : memref<1x1xf32, #tpu.memory_space<smem>>
      memref.store %div3A_33, %arg3[%swap3A_34, %swap3A_35] : memref<1x1xf32, #tpu.memory_space<smem>>
    } else {
    }
    return
  }
  func.func @transform_0(%arg0: i32) -> (i32, i32) {
    %c0_i32 = arith.constant 0 : i32
    %c0_i32_0 = arith.constant 0 : i32
    return %arg0, %c0_i32 : i32, i32
  }
  func.func @transform_1(%arg0: i32) -> (i32, i32) {
    %c0_i32 = arith.constant 0 : i32
    %c0_i32_0 = arith.constant 0 : i32
    return %arg0, %c0_i32 : i32, i32
  }
  func.func @transform_2(%arg0: i32) -> (i32, i32) {
    %c0_i32 = arith.constant 0 : i32
    %c0_i32_0 = arith.constant 0 : i32
    %c0_i32_1 = arith.constant 0 : i32
    return %c0_i32, %c0_i32_0 : i32, i32
  }
}

</mosaic_0001>

<sc_bundles>
// kernel: kernel.4.cloned.1.call-start
scs
__scs_entry_jumppad:
0x0: {  	(pc) =	sbr.rel $0x88, $3  }
0x1: {  	(tag) =	ssettag $0x0;
	lr =	simm.s32 $0x1  }
0x2: {  	[smem:$0x3F9E] =	sst lr;
	_ =	strace $0xD0000000  }
0x3: {  	_ = 	snop  }
0x4: {  	_ = 	snop  }
0x5: {  	_ = 	snop  }
0x6: {  	_ = 	snop  }
0x7: {  	_ = 	snop  }
__scs_overlays_trampoline_lowered:
0x8: {  	[smem:$0x3FAD] =	sst s0  }
0x9: {  	[smem:$0x3FAE] =	sst s1  }
0xa: {  	[smem:$0x3FAF] =	sst s2  }
0xb: {  	[smem:$0x3FB0] =	sst s3  }
0xc: {  	[smem:$0x3FB1] =	sst s4  }
0xd: {  	[smem:$0x3FB2] =	sst s5  }
0xe: {  	[smem:$0x3FB3] =	sst s6  }
0xf: {  	[smem:$0x3FB4] =	sst s7  }
0x10: {  	[smem:$0x3FB5] =	sst s8  }
0x11: {  	[smem:$0x3FB6] =	sst s9;
	s0 =	simm.s32 @!p0 $0x0  }
0x12: {  	s1 =	sld [smem:$0x3F9C];
	s0 =	simm.s32 @p0 $0x1  }
0x13: {  	[smem:$0x3FB7] =	sst s0;
	s0 =	simm.s32 @!p1 $0x0  }
0x14: {  	s2 =	sld [smem:$0x3F9B];
	s0 =	simm.s32 @p1 $0x1  }
0x15: {  	[smem:$0x3FB8] =	sst s0;
	s0 =	simm.s32 @!p2 $0x0  }
0x16: {  	s3 =	sld [smem:$0x3FDB];
	s0 =	simm.s32 @p2 $0x1  }
0x17: {  	s4 =	simm.s32 $0x1BF5;
	[smem:$0x3FBA] =	sst s0  }
0x18: {  	s0 =	sld [smem:$0x3F9D];
	_ =	swait.ge [sflag:s4], $0x0  }
0x19: {  	s7 =	sld [smem:$0x3F9E]  }
0x1a: {  	s8 =	sadd.s32 $0xFFFFE003, lr  }
0x1b: {  	s9 =	sadd.s32 $0xFFFFFEF7, lr;
	s5 =	simm.s32 $0xFFFFFFFF;
	p2 =	slt.u32 s8, $0xFFFFF086  }
0x1c: {  	p1 =	slt.u32 s9, $0xF7A;
	s5 =	simm.s32 @!p2 $0x0  }
0x1d: {  	s5 =	simm.s32 @p1 $0x1;
	p0 =	seq.s32 s7, s2  }
0x1e: {  	s7 =	smul.u32 @!p0 $0xF7A, s2;
	p2 =	seq.s32 @!p0 s5, $0x0  }
0x1f: {  	s9 =	smul.u32 $0xF7A, s1;
	s8 =	simm.s32 @!p0 $0x1BF5;
	p2 =	por !p2, p0  }
0x20: {  	[sflag:s8] =	ssyncset.s32 @!p0 $0xFFFFF086;
	s6 =	sadd.s32 @!p0 s3, s7;
	s7 =	simm.s32 @!p0 $0x108  }
0x21: {  	s3 =	sadd.s32 s3, s9;
	s6 =	sadd.s32 @!p0 $0x88, s6;
	s7 =	simm.s32 @p2 $0x1082  }
0x22: {  	[simem:s7], [sflag:s8] =	dma.local @!p0 [hbm:s6], $0xF7A  }
0x23: {  	s9 =	sor.u32 $0xD0000000, s2;
	s6 =	simm.s32 $0x108;
	_ =	swait.ge @!p0 [sflag:s8], $0x0  }
0x24: {  	s3 =	sadd.s32 $0x88, s3;
	s6 =	simm.s32 @!p1 $0x1082;
	[sflag:s4] =	ssyncset.s32 $0xFFFFF086  }
0x25: {  	[simem:s6], [sflag:s4] =	dma.local [hbm:s3], $0xF7A  }
0x26: {  	[smem:$0x3F9E] =	sst s1;
	(tag) =	ssettag s2;
	_ =	strace s9  }
0x27: {  	s1 =	sld [smem:$0x3FAE]  }
0x28: {  	s2 =	sld [smem:$0x3FAF]  }
0x29: {  	s4 =	sld [smem:$0x3FB1]  }
0x2a: {  	p0 =	seq.s32 s5, $0x0;
	s5 =	sld [smem:$0x3FB2]  }
0x2b: {  	s6 =	sld [smem:$0x3FB3]  }
0x2c: {  	s7 =	sld [smem:$0x3FB4]  }
0x2d: {  	s3 =	simm.s32 $0x108;
	s8 =	sld [smem:$0x3FB5]  }
0x2e: {  	s3 =	simm.s32 @!p0 $0x1082;
	s9 =	sld [smem:$0x3FB6]  }
0x2f: {  	lr =	sadd.s32 s0, s3;
	s0 =	sld [smem:$0x3FAD]  }
0x30: {  	s3 =	sld [smem:$0x3FB0]  }
0x31: {  	[smem:$0x3FB9] =	sst s10  }
0x32: {  	s10 =	sld [smem:$0x3FB7];
	_ =	sdelay $0x3  }
0x33: {  	p0 =	seq.s32 s10, $0x1;
	s10 =	sld [smem:$0x3FB9];
	_ =	sdelay $0x3  }
0x34: {  	[smem:$0x3FB9] =	sst s10  }
0x35: {  	s10 =	sld [smem:$0x3FB8];
	_ =	sdelay $0x3  }
0x36: {  	p1 =	seq.s32 s10, $0x1;
	s10 =	sld [smem:$0x3FB9];
	_ =	sdelay $0x3  }
0x37: {  	[smem:$0x3FB9] =	sst s10  }
0x38: {  	s10 =	sld [smem:$0x3FBA]  }
0x39: {  	_ = 	snop;
	(pc) =	sbr.ind lr, $3  }
0x3a: {  	_ = 	snop  }
0x3b: {  	_ = 	snop  }
0x3c: {  	p2 =	seq.s32 s10, $0x1;
	s10 =	sld [smem:$0x3FB9]  }
0x3d: {  	_ =	shalt  }
0x3e: {  	_ =	shalt  }
0x3f: {  	_ =	shalt  }
0x40: {  	_ =	shalt  }
0x41: {  	_ =	shalt  }
0x42: {  	_ =	shalt  }
0x43: {  	_ =	shalt  }
0x44: {  	_ =	shalt  }
0x45: {  	_ =	shalt  }
0x46: {  	_ =	shalt  }
0x47: {  	_ =	shalt  }
0x48: {  	_ =	shalt  }
0x49: {  	_ =	shalt  }
0x4a: {  	_ =	shalt  }
0x4b: {  	_ =	shalt  }
0x4c: {  	_ =	shalt  }
0x4d: {  	_ =	shalt  }
0x4e: {  	_ =	shalt  }
0x4f: {  	_ =	shalt  }
0x50: {  	_ =	shalt  }
0x51: {  	_ =	shalt  }
0x52: {  	_ =	shalt  }
0x53: {  	_ =	shalt  }
0x54: {  	_ =	shalt  }
0x55: {  	_ =	shalt  }
0x56: {  	_ =	shalt  }
0x57: {  	_ =	shalt  }
0x58: {  	_ =	shalt  }
0x59: {  	_ =	shalt  }
0x5a: {  	_ =	shalt  }
0x5b: {  	_ =	shalt  }
0x5c: {  	_ =	shalt  }
0x5d: {  	_ =	shalt  }
0x5e: {  	_ =	shalt  }
0x5f: {  	_ =	shalt  }
0x60: {  	_ =	shalt  }
0x61: {  	_ =	shalt  }
0x62: {  	_ =	shalt  }
0x63: {  	_ =	shalt  }
0x64: {  	_ =	shalt  }
0x65: {  	_ =	shalt  }
0x66: {  	_ =	shalt  }
0x67: {  	_ =	shalt  }
0x68: {  	_ =	shalt  }
0x69: {  	_ =	shalt  }
0x6a: {  	_ =	shalt  }
0x6b: {  	_ =	shalt  }
0x6c: {  	_ =	shalt  }
0x6d: {  	_ =	shalt  }
0x6e: {  	_ =	shalt  }
0x6f: {  	_ =	shalt  }
0x70: {  	_ =	shalt  }
0x71: {  	_ =	shalt  }
0x72: {  	_ =	shalt  }
0x73: {  	_ =	shalt  }
0x74: {  	_ =	shalt  }
0x75: {  	_ =	shalt  }
0x76: {  	_ =	shalt  }
0x77: {  	_ =	shalt  }
0x78: {  	_ =	shalt  }
0x79: {  	_ =	shalt  }
0x7a: {  	_ =	shalt  }
0x7b: {  	_ =	shalt  }
0x7c: {  	_ =	shalt  }
0x7d: {  	_ =	shalt  }
0x7e: {  	_ =	shalt  }
0x7f: {  	_ =	shalt  }
0x80: {  	_ =	shalt  }
0x81: {  	_ =	shalt  }
0x82: {  	_ =	shalt  }
0x83: {  	_ =	shalt  }
0x84: {  	_ =	shalt  }
0x85: {  	_ =	shalt  }
0x86: {  	_ =	shalt  }
0x87: {  	_ =	shalt  }
.Lfunc_end0:
.L_simem_size_0:
called_computation_lowered:
.L_overlay_start_0:
0x88: {  	s2 =	sld [smem:$0x3FD9]  }
0x89: {  	s3 =	sld [smem:$0x3FFE];
	_ =	sdelay $0x1  }
0x8a: {  	s1 =	srdreg.scid  }
0x8b: {  	s0 =	sand.u32 $0x1, s1  }
0x8c: {  	s14 =	sshll.u32 s0, $0xA;
	s2 =	sadd.s32 s3, s2  }
0x8d: {  	s2 =	sadd.s32 s2, s14  }
0x8e: {  	[smem:$0x3FC5] =	sst s2  }
0x8f: {  	_ = 	snop  }
0x90: {  	s2 =	sld [smem:$0x3FD0];
	_ =	sdelay $0x2  }
0x91: {  	s4 =	simm.s32 $0xA;
	s5 =	simm.s32 $0x10;
	s15 =	sld [smem:$0x3FC7]  }
0x92: {  	[smem:s5], [sflag:s4] =	dma.local [hbm:s2], $0x1  }
0x93: {  	_ =	swait.eq [sflag:s4], $0x1  }
0x94: {  	[sflag:s4] =	ssyncset.done $0x0  }
0x95: {  	[sflag:s4] =	ssyncadd.s32 $0xFFFFFFFF  }
0x96: {  	s16 =	sld [smem:$0x10];
	(tm) =	ssettm $0x1  }
0x97: {  	s17 =	sld [smem:$0x3FFB];
	_ =	sdelay $0x3  }
0x98: {  	_ =	strace s17  }
0x99: {  	s4 =	sld [smem:$0x3FFC];
	_ =	sdelay $0x3  }
0x9a: {  	_ =	strace s4  }
0x9b: {  	s4 =	sld [smem:$0x3FFD];
	_ =	sdelay $0x3  }
0x9c: {  	_ =	strace s4  }
0x9d: {  	_ =	strace $0x8FFFFFFF  }
0x9e: {  	s18 =	sld [smem:$0x3FDB];
	_ =	sdelay $0x1  }
0x9f: {  	s19 =	simm.s32 $_scs_section_size  }
0xa0: {  	s6 =	simm.s32 $_size__tile_overlayer_lowered;
	s7 =	simm.s32 $_tile_overlayer_lowered  }
0xa1: {  	s22 =	simm.s32 $0x1BFF;
	s21 =	sshll.u32 s7, $0x1;
	s4 =	sadd.s32 s19, s18  }
0xa2: {  	s8 =	simm.s32 $0x0;
	s20 =	sshll.u32 s6, $0x1;
	s6 =	sadd.s32 s21, s4  }
0xa3: {  	[timem:s8], [sflag:s22] =	dma.local [hbm:s6], s20  }
0xa4: {  	_ =	swait.ge [sflag:s22], s20  }
0xa5: {  	s5 =	ssub.s32 $0x0, s20;
	[sflag:s22] =	ssyncset.done $0x0  }
0xa6: {  	[sflag:s22] =	ssyncadd.s32 s5;
	_ =	sdelay $0x1  }
0xa7: {  	s23 =	simm.s32 $0x1B8B  }
0xa8: {  	_ =	swait.ge [sflag:s23], $0x1  }
0xa9: {  	[sflag:s23] =	ssyncset.done $0x0  }
0xaa: {  	s25 =	simm.s32 $0x1B8E;
	s24 =	sld [smem:$0x3FFE];
	[sflag:s23] =	ssyncadd.s32 $0xFFFFFFFF  }
0xab: {  	s26 =	simm.s32 $execute0_lowered;
	[smem:$0x3FD2] =	sst s25  }
0xac: {  	s6 =	sshll.u32 s26, $0x1;
	_ =	strace $0x80000046;
	[dreg:$0x1] =	wrdreg $0xFFFFFFFF  }
0xad: {  	s28 =	simm.s32 $_size_execute0_lowered;
	s4 =	sadd.s32 s4, s6;
	[dreg:$0x0] =	wrdreg $0x0  }
0xae: {  	s6 =	sshll.u32 s28, $0x1;
	[dreg:$0x2] =	wrdreg s4  }
0xaf: {  	[dreg:$0x3] =	wrdreg s6  }
0xb0: {  	[dreg:$0x4] =	wrdreg $0xC0  }
0xb1: {  	_ =	task [dreg:s8], $0x5FFFF  }
0xb2: {  	[dreg:$0x1] =	wrdreg $0xFFFFFFFF  }
0xb3: {  	[dreg:$0x0] =	wrdreg $0x60  }
0xb4: {  	[dreg:$0x2] =	wrdreg s15  }
0xb5: {  	[dreg:$0x3] =	wrdreg s24  }
0xb6: {  	[dreg:$0x4] =	wrdreg s16  }
0xb7: {  	[dreg:$0x5] =	wrdreg $0x9  }
0xb8: {  	_ =	task.clear_ibuf [dreg:s8], $0x6FFFF;
	_ =	strace $0x90000046  }
0xb9: {  	s29 =	simm.s32 $0x9;
	_ =	strace $0x80000048  }
0xba: {  	_ =	swait.ge [sflag:s29], $0x1  }
0xbb: {  	[sflag:s29] =	ssyncadd.s32 $0xFFFFFFFF  }
0xbc: {  	_ =	strace $0x90000048  }
0xbd: {  	_ =	sfence  }
0xbe: {  	s30 =	sld [smem:$0x0];
	_ =	sdelay $0x2  }
0xbf: {  	s31 =	sshll.u32 s1, $0xD;
	s1 =	sshrl.u32 s1, $0x2  }
0xc0: {  	s3 =	sand.u32 $0x4000, s31;
	s1 =	sadd.s32 s1, s30  }
0xc1: {  	s0 =	sor.u32 s3, s0;
	s1 =	sshll.u32 s1, $0x11  }
0xc2: {  	s0 =	sor.u32 s1, s0  }
0xc3: {  	s0 =	sadd.s32 $0x8F2B, s0  }
0xc4: {  	[sflag:s0] =	ssyncadd.remote.s32 $0x1  }
0xc5: {  	_ =	sfence.sel $0xFFFF  }
0xc6: {  	[dreg:$0x0] =	wrdreg $0xFFFFFFFF;
	(pc) =	sbr.abs _section_cstart, $3  }
0xc7: {  	[dreg:$0x1] =	wrdreg $0xFFFFFFFF  }
0xc8: {  	_ =	task.clear_ibuf [dreg:s8], $0x2FFFF;
	_ =	strace $0x9FFFFFFF  }
0xc9: {  	(tm) =	ssettm $0x7FFFFFFF  }
tec
execute0_lowered:
.L_overlay_start_1:
0x0: {  	(tag) =	ssettag $0x1  }
0x1: {  	s0 =	rddreg [dreg:$0x0]  }
0x2: {  	s1 =	rddreg [dreg:$0x1]  }
0x3: {  	s4 =	rddreg [dreg:$0x2];
	s2 =	simm.s32 $0x0;
	s3 =	srdreg.scid  }
0x4: {  	s6 =	stileid.u32;
	s28 =	simm.s32 $0xC;
	s29 =	simm.s32 $0xD  }
0x5: {  	s30 =	simm.s32 $0xE;
	s31 =	simm.s32 $0xF;
	[smem:$0x7FF] =	sst s2  }
0x6: {  	s3 =	sand.u32 $0x1, s3;
	s5 =	sshll.u32 s6, $0x1;
	s1 =	sadd.s32 $0x800, s1  }
0x7: {  	s6 =	sshrl.u32 s6, $0x2;
	_ =	strace $0x80000047;
	s5 =	sor.u32 s3, s5  }
0x8: {  	[dreg:$0x4] =	wrdreg s1;
	s7 =	sshll.u32 s6, $0x3;
	s26 =	sor.u32 $0x4, s6  }
0x9: {  	s9 =	sor.u32 $0x8, s6;
	s10 =	sor.u32 $0xC, s6;
	s11 =	sor.u32 $0x10, s6  }
0xa: {  	s3 =	ssub.s32 $0x2, s3;
	s25 =	sshll.u32 s5, $0xA;
	[dreg:$0x5] =	wrdreg s7  }
0xb: {  	s5 =	sshll.u32 s5, $0xD;
	s8 =	sshll.u32 s26, $0x3;
	s12 =	sshll.u32 s9, $0x3  }
0xc: {  	s13 =	sshll.u32 s10, $0x3;
	s14 =	sshll.u32 s11, $0x3;
	[dreg:$0x6] =	wrdreg s8  }
0xd: {  	s7 =	sshll.u32 s26, $0x10;
	s19 =	sshll.u32 s9, $0x10;
	[dreg:$0x7] =	wrdreg s12  }
0xe: {  	s23 =	sshll.u32 s10, $0x10;
	[dreg:$0x8] =	wrdreg s13;
	s12 =	sor.u32 $0x14, s6  }
0xf: {  	[dreg:$0x9] =	wrdreg s14;
	s13 =	sor.u32 $0x18, s6;
	s14 =	sor.u32 $0x1C, s6  }
0x10: {  	s5 =	sand.u32 $0xE000, s5;
	s15 =	sshll.u32 s12, $0x3;
	s16 =	sshll.u32 s13, $0x3  }
0x11: {  	s17 =	sshll.u32 s14, $0x3;
	s8 =	sor.u32 s19, s5;
	[dreg:$0xa] =	wrdreg s15  }
0x12: {  	s24 =	sor.u32 s23, s5;
	s26 =	sshll.u32 s12, $0x10;
	[dreg:$0xb] =	wrdreg s16  }
0x13: {  	s12 =	sshll.u32 s13, $0x10;
	s19 =	simm.s32 $0x980;
	[dreg:$0xc] =	wrdreg s17  }
0x14: {  	s23 =	simm.s32 $0x3180;
	s21 =	sshrl.u32 s8, $0x3;
	[dreg:$0x17] =	wrdreg s19  }
0x15: {  	s8 =	sor.u32 s26, s5;
	[dreg:$0x1b] =	wrdreg s23;
	s26 =	simm.s32 $0x5180  }
0x16: {  	s13 =	sor.u32 s12, s5;
	s12 =	simm.s32 $0x9180;
	[dreg:$0x1e] =	wrdreg s26  }
0x17: {  	s7 =	sor.u32 s7, s5;
	s19 =	simm.s32 $0xD180;
	[smem:$0x7F0] =	sst s12  }
0x18: {  	s15 =	sor.u32 $0x20, s6;
	s23 =	simm.s32 $0xF980;
	[smem:$0x7F6] =	sst s19  }
0x19: {  	s7 =	sshrl.u32 s7, $0x3;
	s18 =	sshll.u32 s15, $0x3;
	[smem:$0x7FA] =	sst s23  }
0x1a: {  	s1 =	sand.u32 $0x1C00, s25;
	s20 =	sadd.s32 s4, s7;
	[dreg:$0xd] =	wrdreg s18  }
0x1b: {  	s25 =	sshll.u32 s11, $0x10;
	s22 =	sadd.s32 s4, s21;
	[dreg:$0xf] =	wrdreg s20  }
0x1c: {  	s6 =	sshll.u32 s6, $0xD;
	s21 =	simm.s32 $0x1980;
	[dreg:$0x10] =	wrdreg s22  }
0x1d: {  	s7 =	sor.u32 s25, s5;
	s25 =	simm.s32 $0x4980;
	[dreg:$0x19] =	wrdreg s21  }
0x1e: {  	s6 =	sadd.s32 s4, s6;
	s26 =	simm.s32 $0x11980;
	[dreg:$0x1d] =	wrdreg s25  }
0x1f: {  	s10 =	sshrl.u32 s8, $0x3;
	s6 =	sadd.s32 s1, s6;
	[smem:$0x7FD] =	sst s26  }
0x20: {  	s14 =	sshll.u32 s14, $0x10;
	s11 =	sadd.s32 s4, s10;
	[dreg:$0xe] =	wrdreg s6  }
0x21: {  	s16 =	sshll.u32 s15, $0x10;
	s20 =	simm.s32 $0x1180;
	[dreg:$0x13] =	wrdreg s11  }
0x22: {  	s15 =	sshrl.u32 s5, $0x3;
	s22 =	simm.s32 $0x2980;
	[dreg:$0x18] =	wrdreg s20  }
0x23: {  	s23 =	simm.s32 $0x8;
	s10 =	simm.s32 $0x8980;
	[dreg:$0x1a] =	wrdreg s22  }
0x24: {  	s8 =	sor.u32 s16, s5;
	s16 =	simm.s32 $0xB180;
	[smem:$0x7EF] =	sst s10  }
0x25: {  	s19 =	simm.s32 $0xE180;
	s21 =	simm.s32 $0xE980;
	[smem:$0x7F3] =	sst s16  }
0x26: {  	s7 =	sshrl.u32 s7, $0x3;
	s25 =	simm.s32 $0x11180;
	[smem:$0x7F8] =	sst s21  }
0x27: {  	s26 =	simm.s32 $0xB;
	s9 =	sadd.s32 s4, s7;
	[smem:$0x7FC] =	sst s25  }
0x28: {  	s6 =	sshrl.u32 s24, $0x3;
	s24 =	simm.s32 $0x3980;
	[dreg:$0x12] =	wrdreg s9  }
0x29: {  	s18 =	sshrl.u32 s8, $0x3;
	s8 =	simm.s32 $0x7180;
	[dreg:$0x1c] =	wrdreg s24  }
0x2a: {  	s7 =	sor.u32 s14, s5;
	s14 =	simm.s32 $0xA980;
	[smem:$0x7ED] =	sst s8  }
0x2b: {  	s11 =	sshrl.u32 s3, $0x1;
	s20 =	simm.s32 $0xD980;
	[smem:$0x7F2] =	sst s14  }
0x2c: {  	s22 =	simm.s32 $0xF180;
	s21 =	simm.s32 $0x6;
	[smem:$0x7F7] =	sst s20  }
0x2d: {  	s25 =	simm.s32 $0xA;
	s6 =	sadd.s32 s4, s6;
	[smem:$0x7F9] =	sst s22  }
0x2e: {  	s16 =	simm.s32 $0x8180;
	s9 =	simm.s32 $0x7980;
	[dreg:$0x11] =	wrdreg s6  }
0x2f: {  	s7 =	sshrl.u32 s7, $0x3;
	s24 =	simm.s32 $0x10980;
	[smem:$0x7EE] =	sst s9  }
0x30: {  	s22 =	simm.s32 $0x7;
	s17 =	sadd.s32 s4, s7;
	[smem:$0x7FB] =	sst s24  }
0x31: {  	s14 =	simm.s32 $0x2180;
	s7 =	simm.s32 $0x6980;
	[dreg:$0x15] =	wrdreg s17  }
0x32: {  	s6 =	sshrl.u32 s13, $0x3;
	s13 =	simm.s32 $0x9980;
	[smem:$0x7EC] =	sst s7  }
0x33: {  	s20 =	simm.s32 $0x10180;
	s6 =	sadd.s32 s4, s6;
	[smem:$0x7F1] =	sst s13  }
0x34: {  	s24 =	simm.s32 $0x9;
	s4 =	sadd.s32 s4, s18;
	[dreg:$0x14] =	wrdreg s6  }
0x35: {  	s17 =	simm.s32 $0xB980;
	s18 =	simm.s32 $0xC980;
	[dreg:$0x16] =	wrdreg s4  }
0x36: {  	s7 =	simm.s32 $0x12;
	s13 =	simm.s32 $0x180;
	[smem:$0x7F4] =	sst s17  }
0x37: {  	s6 =	simm.s32 $0x5980;
	s4 =	sadd.s32 s0, s15;
	[smem:$0x7F5] =	sst s18  }
0x38: {  	v0 =	vlaneseq.u32;
	s15 =	simm.s32 $0x4180;
	s17 =	simm.s32 $0xA180;
	s18 =	simm.s32 $0xC180  }
0x39: {  	v1 =	vshrl.u32 v0, $0x3;
	[dreg:$0x1f] =	wrdreg s6;
	s6 =	ssub.s32 s3, s11;
	s3 =	sadd.s32 s0, s1  }
0x3a: {  	vm0 =	vmmov $0xffff;
	v0 =	vand.u32 $0x7, v0;
	v1 =	vmul.u32 $0x8, v1;
	s0 =	simm.s32 $0x10;
	s1 =	simm.s32 $0x11;
	s5 =	smax.u32 s6, $0x1  }
.LBB2_1:
0x3b: {  	s8 =	rddreg [dreg:$0x4];
	s6 =	simm.s32 $0x13  }
0x3c: {  	[tilespmem:s2], [sflag:$0x13] =	stream.linear.gather [hbm4b:s8+s2], $0x180, $0x38;
	[tilespmem:$0x12180] =	vst v63  }
0x3d: {  	_ =	swait.ge [sflag:s6], $0x180  }
0x3e: {  	[sflag:s6] =	ssyncset.done $0x0  }
0x3f: {  	s12 =	rddreg [dreg:$0x5];
	[sflag:s6] =	ssyncadd.s32 $0xFFFFFE80  }
0x40: {  	v2 =	vld.msk [tilespmem:s12+$0x0], $0xff;
	_ =	sdelay $0x4  }
0x41: {  	v3 =	vshll.u32 v2, $0x6  }
0x42: {  	v2 =	vand.u32 $0x7, v2;
	v3 =	vand.u32 $0xFFFFFE00, v3  }
0x43: {  	v2 =	vor.u32 v2, v3  }
0x44: {  	v2 =	vperm.xlane v2, v0;
	_ =	sdelay $0x1  }
0x45: {  	v2 =	vadd.s32 v1, v2;
	_ =	sdelay $0x3  }
0x46: {  	s10 =	rddreg [dreg:$0x18]  }
0x47: {  	[tilespmem:s13], [sflag:$0x1] =	stream.indirect_vreg.gather [hbm4b:s3+s2], $0x80, v2, vm0, $0xb8;
	[tilespmem:$0x12180] =	vst v63  }
0x48: {  	s9 =	sadd.s32 $0x100, s3;
	s6 =	rddreg [dreg:$0x17]  }
0x49: {  	[tilespmem:s6], [sflag:$0x1] =	stream.indirect_vreg.gather [hbm4b:s9+s2], $0x80, v2, vm0, $0xb8;
	[tilespmem:$0x12180] =	vst v63  }
0x4a: {  	s11 =	rddreg [dreg:$0x19];
	s9 =	sadd.s32 $0x200, s3  }
0x4b: {  	[tilespmem:s10], [sflag:$0x1] =	stream.indirect_vreg.gather [hbm4b:s9+s2], $0x80, v2, vm0, $0xb8;
	[tilespmem:$0x12180] =	vst v63  }
0x4c: {  	s12 =	rddreg [dreg:$0x6];
	s6 =	sadd.s32 $0x300, s3  }
0x4d: {  	[tilespmem:s11], [sflag:$0x1] =	stream.indirect_vreg.gather [hbm4b:s6+s2], $0x80, v2, vm0, $0xb8;
	[tilespmem:$0x12180] =	vst v63  }
0x4e: {  	v2 =	vld.msk [tilespmem:s12+$0x0], $0xff;
	_ =	sdelay $0x4  }
0x4f: {  	v3 =	vshll.u32 v2, $0x6  }
0x50: {  	v2 =	vand.u32 $0x7, v2;
	v3 =	vand.u32 $0xFFFFFE00, v3  }
0x51: {  	v2 =	vor.u32 v2, v3  }
0x52: {  	v2 =	vperm.xlane v2, v0;
	_ =	sdelay $0x1  }
0x53: {  	v2 =	vadd.s32 v1, v2;
	_ =	sdelay $0x3  }
0x54: {  	s10 =	rddreg [dreg:$0x1a]  }
0x55: {  	[tilespmem:s14], [sflag:$0x2] =	stream.indirect_vreg.gather [hbm4b:s4+s2], $0x80, v2, vm0, $0xb8;
	[tilespmem:$0x12180] =	vst v63  }
0x56: {  	s8 =	sadd.s32 $0x100, s4;
	s11 =	rddreg [dreg:$0x1b]  }
0x57: {  	[tilespmem:s10], [sflag:$0x2] =	stream.indirect_vreg.gather [hbm4b:s8+s2], $0x80, v2, vm0, $0xb8;
	[tilespmem:$0x12180] =	vst v63  }
0x58: {  	s9 =	sadd.s32 $0x200, s4;
	s12 =	rddreg [dreg:$0x7]  }
0x59: {  	[tilespmem:s11], [sflag:$0x2] =	stream.indirect_vreg.gather [hbm4b:s9+s2], $0x80, v2, vm0, $0xb8;
	[tilespmem:$0x12180] =	vst v63  }
0x5a: {  	s10 =	sadd.s32 $0x300, s4;
	s11 =	rddreg [dreg:$0x1c]  }
0x5b: {  	[tilespmem:s11], [sflag:$0x2] =	stream.indirect_vreg.gather [hbm4b:s10+s2], $0x80, v2, vm0, $0xb8;
	[tilespmem:$0x12180] =	vst v63  }
0x5c: {  	v2 =	vld.msk [tilespmem:s12+$0x0], $0xff;
	_ =	sdelay $0x4  }
0x5d: {  	v3 =	vshll.u32 v2, $0x6  }
0x5e: {  	v2 =	vand.u32 $0x7, v2;
	v3 =	vand.u32 $0xFFFFFE00, v3  }
0x5f: {  	v2 =	vor.u32 v2, v3  }
0x60: {  	v2 =	vperm.xlane v2, v0;
	_ =	sdelay $0x1  }
0x61: {  	v2 =	vadd.s32 v1, v2;
	_ =	sdelay $0x3  }
0x62: {  	s6 =	rddreg [dreg:$0x1e]  }
0x63: {  	[tilespmem:s15], [sflag:$0x3] =	stream.indirect_vreg.gather [hbm4b:s4+s2], $0x80, v2, vm0, $0xb8;
	[tilespmem:$0x12180] =	vst v63  }
0x64: {  	s12 =	rddreg [dreg:$0x1d]  }
0x65: {  	[tilespmem:s12], [sflag:$0x3] =	stream.indirect_vreg.gather [hbm4b:s8+s2], $0x80, v2, vm0, $0xb8;
	[tilespmem:$0x12180] =	vst v63  }
0x66: {  	s12 =	rddreg [dreg:$0x1f]  }
0x67: {  	[tilespmem:s6], [sflag:$0x3] =	stream.indirect_vreg.gather [hbm4b:s9+s2], $0x80, v2, vm0, $0xb8;
	[tilespmem:$0x12180] =	vst v63  }
0x68: {  	s6 =	rddreg [dreg:$0x8]  }
0x69: {  	[tilespmem:s12], [sflag:$0x3] =	stream.indirect_vreg.gather [hbm4b:s10+s2], $0x80, v2, vm0, $0xb8;
	[tilespmem:$0x12180] =	vst v63  }
0x6a: {  	v2 =	vld.msk [tilespmem:s6+$0x0], $0xff;
	_ =	sdelay $0x4  }
0x6b: {  	v3 =	vshll.u32 v2, $0x6  }
0x6c: {  	v2 =	vand.u32 $0x7, v2;
	v3 =	vand.u32 $0xFFFFFE00, v3  }
0x6d: {  	v2 =	vor.u32 v2, v3  }
0x6e: {  	v2 =	vperm.xlane v2, v0;
	_ =	sdelay $0x1  }
0x6f: {  	v2 =	vadd.s32 v1, v2;
	_ =	sdelay $0x3  }
0x70: {  	s11 =	sld [smem:$0x7EC];
	s6 =	simm.s32 $0x6180  }
0x71: {  	[tilespmem:s6], [sflag:$0x4] =	stream.indirect_vreg.gather [hbm4b:s4+s2], $0x80, v2, vm0, $0xb8;
	[tilespmem:$0x12180] =	vst v63  }
0x72: {  	s12 =	sld [smem:$0x7ED]  }
0x73: {  	[tilespmem:s11], [sflag:$0x4] =	stream.indirect_vreg.gather [hbm4b:s8+s2], $0x80, v2, vm0, $0xb8;
	[tilespmem:$0x12180] =	vst v63  }
0x74: {  	s11 =	sld [smem:$0x7EE]  }
0x75: {  	[tilespmem:s12], [sflag:$0x4] =	stream.indirect_vreg.gather [hbm4b:s9+s2], $0x80, v2, vm0, $0xb8;
	[tilespmem:$0x12180] =	vst v63  }
0x76: {  	s12 =	rddreg [dreg:$0x9]  }
0x77: {  	[tilespmem:s11], [sflag:$0x4] =	stream.indirect_vreg.gather [hbm4b:s10+s2], $0x80, v2, vm0, $0xb8;
	[tilespmem:$0x12180] =	vst v63  }
0x78: {  	v2 =	vld.msk [tilespmem:s12+$0x0], $0xff;
	_ =	sdelay $0x4  }
0x79: {  	v3 =	vshll.u32 v2, $0x6  }
0x7a: {  	v2 =	vand.u32 $0x7, v2;
	v3 =	vand.u32 $0xFFFFFE00, v3  }
0x7b: {  	v2 =	vor.u32 v2, v3  }
0x7c: {  	v2 =	vperm.xlane v2, v0;
	_ =	sdelay $0x1  }
0x7d: {  	v2 =	vadd.s32 v1, v2;
	_ =	sdelay $0x3  }
0x7e: {  	s11 =	sld [smem:$0x7EF]  }
0x7f: {  	[tilespmem:s16], [sflag:$0x5] =	stream.indirect_vreg.gather [hbm4b:s4+s2], $0x80, v2, vm0, $0xb8;
	[tilespmem:$0x12180] =	vst v63  }
0x80: {  	s12 =	sld [smem:$0x7F0]  }
0x81: {  	[tilespmem:s11], [sflag:$0x5] =	stream.indirect_vreg.gather [hbm4b:s8+s2], $0x80, v2, vm0, $0xb8;
	[tilespmem:$0x12180] =	vst v63  }
0x82: {  	s11 =	sld [smem:$0x7F1]  }
0x83: {  	[tilespmem:s12], [sflag:$0x5] =	stream.indirect_vreg.gather [hbm4b:s9+s2], $0x80, v2, vm0, $0xb8;
	[tilespmem:$0x12180] =	vst v63  }
0x84: {  	s12 =	rddreg [dreg:$0xa]  }
0x85: {  	[tilespmem:s11], [sflag:$0x5] =	stream.indirect_vreg.gather [hbm4b:s10+s2], $0x80, v2, vm0, $0xb8;
	[tilespmem:$0x12180] =	vst v63  }
0x86: {  	v2 =	vld.msk [tilespmem:s12+$0x0], $0xff;
	_ =	sdelay $0x4  }
0x87: {  	v3 =	vshll.u32 v2, $0x6  }
0x88: {  	v2 =	vand.u32 $0x7, v2;
	v3 =	vand.u32 $0xFFFFFE00, v3  }
0x89: {  	v2 =	vor.u32 v2, v3  }
0x8a: {  	v2 =	vperm.xlane v2, v0;
	_ =	sdelay $0x1  }
0x8b: {  	v2 =	vadd.s32 v1, v2;
	_ =	sdelay $0x3  }
0x8c: {  	s11 =	sld [smem:$0x7F2]  }
0x8d: {  	[tilespmem:s17], [sflag:$0x6] =	stream.indirect_vreg.gather [hbm4b:s4+s2], $0x80, v2, vm0, $0xb8;
	[tilespmem:$0x12180] =	vst v63  }
0x8e: {  	s12 =	sld [smem:$0x7F3]  }
0x8f: {  	[tilespmem:s11], [sflag:$0x6] =	stream.indirect_vreg.gather [hbm4b:s8+s2], $0x80, v2, vm0, $0xb8;
	[tilespmem:$0x12180] =	vst v63  }
0x90: {  	s11 =	sld [smem:$0x7F4]  }
0x91: {  	[tilespmem:s12], [sflag:$0x6] =	stream.indirect_vreg.gather [hbm4b:s9+s2], $0x80, v2, vm0, $0xb8;
	[tilespmem:$0x12180] =	vst v63  }
0x92: {  	s12 =	rddreg [dreg:$0xb]  }
0x93: {  	[tilespmem:s11], [sflag:$0x6] =	stream.indirect_vreg.gather [hbm4b:s10+s2], $0x80, v2, vm0, $0xb8;
	[tilespmem:$0x12180] =	vst v63  }
0x94: {  	v2 =	vld.msk [tilespmem:s12+$0x0], $0xff;
	_ =	sdelay $0x4  }
0x95: {  	v3 =	vshll.u32 v2, $0x6  }
0x96: {  	v2 =	vand.u32 $0x7, v2;
	v3 =	vand.u32 $0xFFFFFE00, v3  }
0x97: {  	v2 =	vor.u32 v2, v3  }
0x98: {  	v2 =	vperm.xlane v2, v0;
	_ =	sdelay $0x1  }
0x99: {  	v2 =	vadd.s32 v1, v2;
	_ =	sdelay $0x3  }
0x9a: {  	s11 =	sld [smem:$0x7F5]  }
0x9b: {  	[tilespmem:s18], [sflag:$0x7] =	stream.indirect_vreg.gather [hbm4b:s4+s2], $0x80, v2, vm0, $0xb8;
	[tilespmem:$0x12180] =	vst v63  }
0x9c: {  	s12 =	sld [smem:$0x7F6]  }
0x9d: {  	[tilespmem:s11], [sflag:$0x7] =	stream.indirect_vreg.gather [hbm4b:s8+s2], $0x80, v2, vm0, $0xb8;
	[tilespmem:$0x12180] =	vst v63  }
0x9e: {  	s11 =	sld [smem:$0x7F7]  }
0x9f: {  	[tilespmem:s12], [sflag:$0x7] =	stream.indirect_vreg.gather [hbm4b:s9+s2], $0x80, v2, vm0, $0xb8;
	[tilespmem:$0x12180] =	vst v63  }
0xa0: {  	s12 =	rddreg [dreg:$0xc]  }
0xa1: {  	[tilespmem:s11], [sflag:$0x7] =	stream.indirect_vreg.gather [hbm4b:s10+s2], $0x80, v2, vm0, $0xb8;
	[tilespmem:$0x12180] =	vst v63  }
0xa2: {  	v2 =	vld.msk [tilespmem:s12+$0x0], $0xff;
	_ =	sdelay $0x4  }
0xa3: {  	v3 =	vshll.u32 v2, $0x6  }
0xa4: {  	v2 =	vand.u32 $0x7, v2;
	v3 =	vand.u32 $0xFFFFFE00, v3  }
0xa5: {  	v2 =	vor.u32 v2, v3  }
0xa6: {  	v2 =	vperm.xlane v2, v0;
	_ =	sdelay $0x1  }
0xa7: {  	v2 =	vadd.s32 v1, v2;
	_ =	sdelay $0x3  }
0xa8: {  	s11 =	sld [smem:$0x7F8]  }
0xa9: {  	[tilespmem:s19], [sflag:$0x8] =	stream.indirect_vreg.gather [hbm4b:s4+s2], $0x80, v2, vm0, $0xb8;
	[tilespmem:$0x12180] =	vst v63  }
0xaa: {  	s12 =	sld [smem:$0x7F9]  }
0xab: {  	[tilespmem:s11], [sflag:$0x8] =	stream.indirect_vreg.gather [hbm4b:s8+s2], $0x80, v2, vm0, $0xb8;
	[tilespmem:$0x12180] =	vst v63  }
0xac: {  	s11 =	sld [smem:$0x7FA]  }
0xad: {  	[tilespmem:s12], [sflag:$0x8] =	stream.indirect_vreg.gather [hbm4b:s9+s2], $0x80, v2, vm0, $0xb8;
	[tilespmem:$0x12180] =	vst v63  }
0xae: {  	s12 =	rddreg [dreg:$0xd]  }
0xaf: {  	[tilespmem:s11], [sflag:$0x8] =	stream.indirect_vreg.gather [hbm4b:s10+s2], $0x80, v2, vm0, $0xb8;
	[tilespmem:$0x12180] =	vst v63  }
0xb0: {  	v2 =	vld.msk [tilespmem:s12+$0x0], $0xff;
	_ =	sdelay $0x4  }
0xb1: {  	v3 =	vshll.u32 v2, $0x6  }
0xb2: {  	v2 =	vand.u32 $0x7, v2;
	v3 =	vand.u32 $0xFFFFFE00, v3  }
0xb3: {  	v2 =	vor.u32 v2, v3  }
0xb4: {  	v2 =	vperm.xlane v2, v0;
	_ =	sdelay $0x1  }
0xb5: {  	v2 =	vadd.s32 v1, v2;
	_ =	sdelay $0x3  }
0xb6: {  	s11 =	sld [smem:$0x7FB]  }
0xb7: {  	[tilespmem:s20], [sflag:$0x9] =	stream.indirect_vreg.gather [hbm4b:s4+s2], $0x80, v2, vm0, $0xb8;
	[tilespmem:$0x12180] =	vst v63  }
0xb8: {  	s12 =	sld [smem:$0x7FC]  }
0xb9: {  	[tilespmem:s11], [sflag:$0x9] =	stream.indirect_vreg.gather [hbm4b:s8+s2], $0x80, v2, vm0, $0xb8;
	[tilespmem:$0x12180] =	vst v63  }
0xba: {  	s11 =	sld [smem:$0x7FD]  }
0xbb: {  	[tilespmem:s12], [sflag:$0x9] =	stream.indirect_vreg.gather [hbm4b:s9+s2], $0x80, v2, vm0, $0xb8;
	[tilespmem:$0x12180] =	vst v63  }
0xbc: {  	_ = 	snop  }
0xbd: {  	[tilespmem:s11], [sflag:$0x9] =	stream.indirect_vreg.gather [hbm4b:s10+s2], $0x80, v2, vm0, $0xb8;
	[tilespmem:$0x12180] =	vst v63  }
0xbe: {  	s11 =	simm.s32 $0x1  }
0xbf: {  	_ =	swait.ge [sflag:s11], $0x2000  }
0xc0: {  	[sflag:s11] =	ssyncset.done $0x0  }
0xc1: {  	s8 =	simm.s32 $0x2;
	s12 =	rddreg [dreg:$0xe];
	[sflag:s11] =	ssyncadd.s32 $0xFFFFE000  }
0xc2: {  	[hbm4b:s12+s2] =	stream.linear.scatter [tilespmem:s13], [sflag:$0xA], $0x2000, $0x38;
	[tilespmem:$0x12180] =	vst v63  }
0xc3: {  	_ =	swait.ge [sflag:s8], $0x2000  }
0xc4: {  	[sflag:s8] =	ssyncset.done $0x0  }
0xc5: {  	s11 =	simm.s32 $0x3;
	s10 =	rddreg [dreg:$0xf];
	[sflag:s8] =	ssyncadd.s32 $0xFFFFE000  }
0xc6: {  	[hbm4b:s10+s2] =	stream.linear.scatter [tilespmem:s14], [sflag:$0xB], $0x2000, $0x38;
	[tilespmem:$0x12180] =	vst v63  }
0xc7: {  	_ =	swait.ge [sflag:s11], $0x2000  }
0xc8: {  	[sflag:s11] =	ssyncset.done $0x0  }
0xc9: {  	s8 =	simm.s32 $0x4;
	s12 =	rddreg [dreg:$0x10];
	[sflag:s11] =	ssyncadd.s32 $0xFFFFE000  }
0xca: {  	[hbm4b:s12+s2] =	stream.linear.scatter [tilespmem:s15], [sflag:$0xC], $0x2000, $0x38;
	[tilespmem:$0x12180] =	vst v63  }
0xcb: {  	_ =	swait.ge [sflag:s8], $0x2000  }
0xcc: {  	[sflag:s8] =	ssyncset.done $0x0  }
0xcd: {  	s11 =	simm.s32 $0x5;
	s10 =	rddreg [dreg:$0x11];
	[sflag:s8] =	ssyncadd.s32 $0xFFFFE000  }
0xce: {  	[hbm4b:s10+s2] =	stream.linear.scatter [tilespmem:s6], [sflag:$0xD], $0x2000, $0x38;
	[tilespmem:$0x12180] =	vst v63  }
0xcf: {  	_ =	swait.ge [sflag:s11], $0x2000  }
0xd0: {  	[sflag:s11] =	ssyncset.done $0x0  }
0xd1: {  	s12 =	rddreg [dreg:$0x12];
	[sflag:s11] =	ssyncadd.s32 $0xFFFFE000  }
0xd2: {  	[hbm4b:s12+s2] =	stream.linear.scatter [tilespmem:s16], [sflag:$0xE], $0x2000, $0x38;
	[tilespmem:$0x12180] =	vst v63  }
0xd3: {  	_ =	swait.ge [sflag:s21], $0x2000  }
0xd4: {  	[sflag:s21] =	ssyncset.done $0x0  }
0xd5: {  	s9 =	rddreg [dreg:$0x13];
	[sflag:s21] =	ssyncadd.s32 $0xFFFFE000  }
0xd6: {  	[hbm4b:s9+s2] =	stream.linear.scatter [tilespmem:s17], [sflag:$0xF], $0x2000, $0x38;
	[tilespmem:$0x12180] =	vst v63  }
0xd7: {  	_ =	swait.ge [sflag:s22], $0x2000  }
0xd8: {  	[sflag:s22] =	ssyncset.done $0x0  }
0xd9: {  	s10 =	rddreg [dreg:$0x14];
	[sflag:s22] =	ssyncadd.s32 $0xFFFFE000  }
0xda: {  	[hbm4b:s10+s2] =	stream.linear.scatter [tilespmem:s18], [sflag:$0x10], $0x2000, $0x38;
	[tilespmem:$0x12180] =	vst v63  }
0xdb: {  	_ =	swait.ge [sflag:s23], $0x2000  }
0xdc: {  	[sflag:s23] =	ssyncset.done $0x0  }
0xdd: {  	s11 =	rddreg [dreg:$0x15];
	[sflag:s23] =	ssyncadd.s32 $0xFFFFE000  }
0xde: {  	[hbm4b:s11+s2] =	stream.linear.scatter [tilespmem:s19], [sflag:$0x11], $0x2000, $0x38;
	[tilespmem:$0x12180] =	vst v63  }
0xdf: {  	_ =	swait.ge [sflag:s24], $0x2000  }
0xe0: {  	[sflag:s24] =	ssyncset.done $0x0  }
0xe1: {  	s12 =	rddreg [dreg:$0x16];
	[sflag:s24] =	ssyncadd.s32 $0xFFFFE000  }
0xe2: {  	[hbm4b:s12+s2] =	stream.linear.scatter [tilespmem:s20], [sflag:$0x12], $0x2000, $0x38;
	[tilespmem:$0x12180] =	vst v63  }
0xe3: {  	_ =	swait.ge [sflag:s25], $0x2000  }
0xe4: {  	[sflag:s25] =	ssyncset.done $0x0  }
0xe5: {  	[sflag:s25] =	ssyncadd.s32 $0xFFFFE000  }
0xe6: {  	_ =	swait.ge [sflag:s26], $0x2000  }
0xe7: {  	[sflag:s26] =	ssyncset.done $0x0  }
0xe8: {  	[sflag:s26] =	ssyncadd.s32 $0xFFFFE000  }
0xe9: {  	_ =	swait.ge [sflag:s28], $0x2000  }
0xea: {  	[sflag:s28] =	ssyncset.done $0x0  }
0xeb: {  	[sflag:s28] =	ssyncadd.s32 $0xFFFFE000  }
0xec: {  	_ =	swait.ge [sflag:s29], $0x2000  }
0xed: {  	[sflag:s29] =	ssyncset.done $0x0  }
0xee: {  	[sflag:s29] =	ssyncadd.s32 $0xFFFFE000  }
0xef: {  	_ =	swait.ge [sflag:s30], $0x2000  }
0xf0: {  	[sflag:s30] =	ssyncset.done $0x0  }
0xf1: {  	[sflag:s30] =	ssyncadd.s32 $0xFFFFE000  }
0xf2: {  	_ =	swait.ge [sflag:s31], $0x2000  }
0xf3: {  	[sflag:s31] =	ssyncset.done $0x0  }
0xf4: {  	[sflag:s31] =	ssyncadd.s32 $0xFFFFE000  }
0xf5: {  	_ =	swait.ge [sflag:s0], $0x2000  }
0xf6: {  	[sflag:s0] =	ssyncset.done $0x0  }
0xf7: {  	[sflag:s0] =	ssyncadd.s32 $0xFFFFE000  }
0xf8: {  	p0 =	sne.s32 s5, $0x1;
	_ =	swait.ge [sflag:s1], $0x2000  }
.Ltmp0:
0xf9: {  	[sflag:s1] =	ssyncset.done $0x0;
	(pc) =	sbr.rel @p0 .LBB2_1-.Ltmp0, $4  }
0xfa: {  	[sflag:s1] =	ssyncadd.s32 $0xFFFFE000  }
0xfb: {  	_ =	swait.ge [sflag:s7], $0x2000  }
0xfc: {  	[sflag:s7] =	ssyncset.done $0x0  }
0xfd: {  	s5 =	sadd.s32 $0xFFFFFFFF, s5;
	[sflag:s7] =	ssyncadd.s32 $0xFFFFE000  }
0xfe: {  	_ =	sfence.sel $0x180000  }
0xff: {  	[bflag:$0x0] =	sbarrier.arrive $0xFFFF  }
0x100: {  	_ =	strace $0x90000047  }
0x101: {  	s0 =	stileid.u32;
	[bflag:$0x2] =	sbarrier.arrive $0xFFFF  }
0x102: {  	p0 =	sne.s32 s0, $0x0;
	s0 =	rddreg [dreg:$0x3]  }
0x103: {  	s0 =	sadd.s32 @!p0 $0x100000, s0  }
0x104: {  	[sflag:s0] =	ssyncadd.tile.s32 @!p0 $0x1;
	_ =	shalt  }
.Lfunc_end2:
_tile_overlayer_lowered:
.L_overlay_start_2:
0x105: {  	(tag) =	ssettag $0x2  }
0x106: {  	s0 =	rddreg [dreg:$0x0];
	s2 =	stileid.u32  }
0x107: {  	s1 =	rddreg [dreg:$0x1];
	p0 =	sne.s32 s2, $0x0  }
0x108: {  	s3 =	rddreg [dreg:$0x2];
	[bflag:$0x3] =	sbarrier.arrive $0xFFFF;
	s2 =	simm.s32 @!p0 $0x1C13  }
0x109: {  	[timem:s3], [sflag:s2] =	dma.local @!p0 [hbm:s0], s1  }
0x10a: {  	s0 =	simm.s32 @!p0 $0x13  }
0x10b: {  	_ =	swait.ge @!p0 [sflag:s0], s1  }
0x10c: {  	s1 =	ssub.s32 @!p0 $0x0, s1;
	[sflag:s0] =	ssyncset.done @!p0 $0x0  }
0x10d: {  	[sflag:s0] =	ssyncadd.s32 @!p0 s1  }
0x10e: {  	[bflag:$0x3] =	sbarrier.arrive $0xFFFF  }
0x10f: {  	_ =	shalt  }

</sc_bundles>
